<compile_context>
chip_gen: v7x
topology: tpu7x:2x2x1
jax: 0.10.2.dev20260603
libtpu: 0.0.44.dev20260713+nightly
codegen_flags: <defaults>
</compile_context>

<pallas_src>
import functools

import jax
import jax.numpy as jnp
from jax.experimental import pallas as pl

_N = 10000
_BR = 400
_EPS = 1e-5


def _stats_body(h_ref, s_ref, q_ref):
    i = pl.program_id(0)
    hb = h_ref[...]
    ps = jnp.sum(hb, axis=0, keepdims=True)
    pq = jnp.sum(hb * hb, axis=0, keepdims=True)

    @pl.when(i == 0)
    def _init():
        s_ref[...] = ps
        q_ref[...] = pq

    @pl.when(i != 0)
    def _acc():
        s_ref[...] = s_ref[...] + ps
        q_ref[...] = q_ref[...] + pq


def _col_stats(h):
    n, c = h.shape
    s, q = pl.pallas_call(
        _stats_body,
        grid=(n // _BR,),
        in_specs=[pl.BlockSpec((_BR, c), lambda i: (i, 0))],
        out_specs=[
            pl.BlockSpec((1, c), lambda i: (0, 0)),
            pl.BlockSpec((1, c), lambda i: (0, 0)),
        ],
        out_shape=[
            jax.ShapeDtypeStruct((1, c), jnp.float32),
            jax.ShapeDtypeStruct((1, c), jnp.float32),
        ],
    )(h)
    mu = s[0] / n
    var = q[0] / n - mu * mu
    return mu, var


def _affmm_body(h_ref, sc_ref, sh_ref, w_ref, o_ref, *, relu):
    hb = h_ref[...] * sc_ref[...] + sh_ref[...]
    if relu:
        hb = jnp.maximum(hb, 0.0)
    o_ref[...] = jnp.dot(hb.astype(jnp.bfloat16),
                         w_ref[...].astype(jnp.bfloat16),
                         preferred_element_type=jnp.float32)


def _aff_mm(h, scale, shift, w, relu):
    n, k = h.shape
    co = w.shape[1]
    return pl.pallas_call(
        functools.partial(_affmm_body, relu=relu),
        grid=(n // _BR,),
        in_specs=[
            pl.BlockSpec((_BR, k), lambda i: (i, 0)),
            pl.BlockSpec((1, k), lambda i: (0, 0)),
            pl.BlockSpec((1, k), lambda i: (0, 0)),
            pl.BlockSpec((k, co), lambda i: (0, 0)),
        ],
        out_specs=pl.BlockSpec((_BR, co), lambda i: (i, 0)),
        out_shape=jax.ShapeDtypeStruct((n, co), jnp.float32),
    )(h, scale.reshape(1, k), shift.reshape(1, k), w)


def _mm_body(a_ref, b_ref, o_ref):
    k = pl.program_id(1)
    p = jnp.dot(a_ref[...], b_ref[...], preferred_element_type=jnp.float32)

    @pl.when(k == 0)
    def _init():
        o_ref[...] = p

    @pl.when(k != 0)
    def _acc():
        o_ref[...] = o_ref[...] + p


def _matmul(a, b, bm=1000, bk=1024):
    m, k = a.shape
    n = b.shape[1]
    return pl.pallas_call(
        _mm_body,
        grid=(m // bm, k // bk),
        in_specs=[
            pl.BlockSpec((bm, bk), lambda i, j: (i, j)),
            pl.BlockSpec((bk, n), lambda i, j: (j, 0)),
        ],
        out_specs=pl.BlockSpec((bm, n), lambda i, j: (i, 0)),
        out_shape=jax.ShapeDtypeStruct((m, n), jnp.float32),
    )(a, b)


def _final_body(h_ref, c4_ref, w5_ref, c5_ref, o_ref):
    hb = jnp.maximum(h_ref[...] + c4_ref[...], 0.0)
    v = jnp.sum(hb * w5_ref[...], axis=1, keepdims=True) + c5_ref[...]
    o_ref[...] = jax.nn.sigmoid(v)


def _final(h, c4, w5, c5):
    n, k = h.shape
    return pl.pallas_call(
        _final_body,
        grid=(n // _BR,),
        in_specs=[
            pl.BlockSpec((_BR, k), lambda i: (i, 0)),
            pl.BlockSpec((1, k), lambda i: (0, 0)),
            pl.BlockSpec((1, k), lambda i: (0, 0)),
            pl.BlockSpec((1, 1), lambda i: (0, 0)),
        ],
        out_specs=pl.BlockSpec((_BR, 1), lambda i: (i, 0)),
        out_shape=jax.ShapeDtypeStruct((n, 1), jnp.float32),
    )(h, c4.reshape(1, k), w5.reshape(1, k), c5.reshape(1, 1))


def kernel(x, edge_index, train_mask, y, g0, b0, W1, c1, g1, be1, W2, c2,
           g2, be2, W3, c3, g3, be3, W4, c4, W5, c5):
    loop = jnp.arange(_N, dtype=edge_index.dtype)
    src = jnp.concatenate([edge_index[0], loop])
    dst = jnp.concatenate([edge_index[1], loop])
    deg = jax.ops.segment_sum(
        jnp.ones_like(src, dtype=jnp.float32), dst, num_segments=_N)
    dinv = jnp.where(deg > 0, deg ** -0.5, 0.0)
    norm = dinv[src] * dinv[dst]

    _KP = 10240
    A = (jnp.zeros((_N * _KP,), jnp.float32)
         .at[dst * _KP + src].add(norm)
         .reshape(_N, _KP)
         .astype(jnp.bfloat16))

    def _padk(t):
        return jnp.pad(t, ((0, _KP - _N), (0, 0))).astype(jnp.bfloat16)

    mu, var = _col_stats(x)
    sc = g0 * jax.lax.rsqrt(var + _EPS)
    sh = b0 - mu * sc
    h = _matmul(A, _padk(_aff_mm(x, sc, sh, W1, relu=False)))

    for (W, g, be) in ((W2, g1, be1), (W3, g2, be2), (W4, g3, be3)):
        mu, var = _col_stats(h)
        sc = g * jax.lax.rsqrt(var + _EPS)
        sh = be - mu * sc
        h = _matmul(A, _padk(_aff_mm(h, sc, sh, W, relu=True)))

    p = _final(h, c4, W5, c5)[:, 0]
    idx = jnp.nonzero(train_mask, size=train_mask.shape[0], fill_value=0)[0]
    return (jnp.take(p, idx, axis=0), jnp.take(y, idx, axis=0))

# --- scband reference (transcript-rebuilt; emitter-appended) ---
"""Pipeline reference for scband-classifier-gnn-concat-gcn-23682449670464 (READ-ONLY COPY).

The authoritative reference and input builder live on the scoring server;
editing this copy changes nothing except your own understanding.
"""

import jax, jax.numpy as jnp
import numpy as np

N = 10000
E = 160000
D_IN = 1 + 128 * 25  # 3201


def setup_inputs(seed: int = 0) -> dict:
    key = jax.random.key(seed)
    ks = jax.random.split(key, 12)
    x = jax.random.normal(ks[0], (N, D_IN), dtype=jnp.float32)
    edge_index = jax.random.randint(ks[1], (2, E), 0, N, dtype=jnp.int32)
    train_mask = jnp.ones((N,), dtype=bool)
    y = jax.random.normal(ks[2], (N,), dtype=jnp.float32)

    def w(k, shape):
        fan_in = shape[0]
        return jax.random.normal(k, shape, dtype=jnp.float32) * (1.0 / np.sqrt(fan_in))

    return {
        'x': x, 'edge_index': edge_index, 'train_mask': train_mask, 'y': y,
        'g0': jnp.ones((D_IN,), jnp.float32), 'b0': jnp.zeros((D_IN,), jnp.float32),
        'W1': w(ks[3], (D_IN, 1024)), 'c1': jnp.zeros((1024,), jnp.float32),
        'g1': jnp.ones((1024,), jnp.float32), 'be1': jnp.zeros((1024,), jnp.float32),
        'W2': w(ks[4], (1024, 512)), 'c2': jnp.zeros((512,), jnp.float32),
        'g2': jnp.ones((512,), jnp.float32), 'be2': jnp.zeros((512,), jnp.float32),
        'W3': w(ks[5], (512, 512)), 'c3': jnp.zeros((512,), jnp.float32),
        'g3': jnp.ones((512,), jnp.float32), 'be3': jnp.zeros((512,), jnp.float32),
        'W4': w(ks[6], (512, 512)), 'c4': jnp.zeros((512,), jnp.float32),
        'W5': w(ks[7], (512, 1)), 'c5': jnp.zeros((1,), jnp.float32),
    }


def _bn(h, g, b):
    mu = h.mean(axis=0)
    var = h.var(axis=0)
    return (h - mu) / jnp.sqrt(var + 1e-5) * g + b


def reference(x, edge_index, train_mask, y, g0, b0, W1, c1, g1, be1, W2, c2, g2, be2, W3, c3, g3, be3, W4, c4, W5, c5):
    # GCN normalization with self loops (symmetric D^-1/2 (A+I) D^-1/2)
    loop = jnp.arange(N, dtype=edge_index.dtype)
    src = jnp.concatenate([edge_index[0], loop])
    dst = jnp.concatenate([edge_index[1], loop])
    deg = jax.ops.segment_sum(jnp.ones_like(src, dtype=jnp.float32), dst, num_segments=N)
    dinv = jnp.where(deg > 0, deg ** -0.5, 0.0)
    norm = dinv[src] * dinv[dst]

    def gcn(h, W, c):
        t = h @ W
        m = jnp.take(t, src, axis=0) * norm[:, None]
        return jax.ops.segment_sum(m, dst, num_segments=N) + c

    h = _bn(x, g0, b0)
    h = gcn(h, W1, c1)
    h = jax.nn.relu(_bn(h, g1, be1))
    h = gcn(h, W2, c2)
    h = jax.nn.relu(_bn(h, g2, be2))
    h = gcn(h, W3, c3)
    h = jax.nn.relu(_bn(h, g3, be3))
    h = jax.nn.relu(gcn(h, W4, c4))
    h = h @ W5 + c5
    p = jax.nn.sigmoid(h).squeeze()
    idx = jnp.nonzero(train_mask, size=train_mask.shape[0], fill_value=0)[0]
    return (jnp.take(p, idx, axis=0), jnp.take(y, idx, axis=0))

if __name__ == "__main__":
    import jax
    _d = setup_inputs()
    print(jax.jit(kernel)(*tuple(_d.values())))

</pallas_src>

<mosaic_0001>
module attributes {stable_mosaic.version = 14 : i64} {
  func.func @_stats_body(%arg0: i32, %arg1: memref<400x3201xf32, #tpu.memory_space<vmem>>, %arg2: memref<1x3201xf32, #tpu.memory_space<vmem>>, %arg3: memref<1x3201xf32, #tpu.memory_space<vmem>>) attributes {dimension_semantics = [#tpu.dimension_semantics<arbitrary>], iteration_bounds = array<i64: 25>, scalar_prefetch = 0 : i64, scratch_operands = 0 : i64, tpu.core_type = #tpu.core_type<tc>, window_params = [{transform_indices = @transform_0, window_bounds = array<i64: 400, 3201>}, {pipeline_mode = #tpu.pipeline_mode<synchronous>, transform_indices = @transform_1, window_bounds = array<i64: 1, 3201>}, {pipeline_mode = #tpu.pipeline_mode<synchronous>, transform_indices = @transform_2, window_bounds = array<i64: 1, 3201>}]} {
    %get3A = arith.constant 0 : index
    %get3A_0 = arith.constant 0 : index
    %get3A_1 = vector.load %arg1[%get3A, %get3A_0] : memref<400x3201xf32, #tpu.memory_space<vmem>>, vector<400x3201xf32>
    %reduce_sum3A = arith.constant dense<0.000000e+00> : vector<3201xf32>
    %reduce_sum3A_2 = vector.multi_reduction <add>, %get3A_1, %reduce_sum3A [0] : vector<400x3201xf32> to vector<3201xf32>
    %broadcast_in_dim3A = vector.shape_cast %reduce_sum3A_2 : vector<3201xf32> to vector<1x3201xf32>
    %mul3A = arith.mulf %get3A_1, %get3A_1 : vector<400x3201xf32>
    %reduce_sum3A_3 = arith.constant dense<0.000000e+00> : vector<3201xf32>
    %reduce_sum3A_4 = vector.multi_reduction <add>, %mul3A, %reduce_sum3A_3 [0] : vector<400x3201xf32> to vector<3201xf32>
    %broadcast_in_dim3A_5 = vector.shape_cast %reduce_sum3A_4 : vector<3201xf32> to vector<1x3201xf32>
    %eq3A = arith.constant 0 : i32
    %eq3A_6 = arith.cmpi eq, %arg0, %eq3A : i32
    %convert_element_type3A = arith.extui %eq3A_6 : i1 to i32
    %cond3A = arith.constant 0 : i32
    %cond3A_7 = arith.cmpi ne, %convert_element_type3A, %cond3A : i32
    scf.if %cond3A_7 {
      %swap3A = arith.constant 0 : index
      %swap3A_12 = arith.constant 0 : index
      %swap3A_13 = vector.load %arg2[%swap3A, %swap3A_12] : memref<1x3201xf32, #tpu.memory_space<vmem>>, vector<1x3201xf32>
      tpu.vector_store %arg2[%swap3A, %swap3A_12], %broadcast_in_dim3A {strides = array<i32>} : memref<1x3201xf32, #tpu.memory_space<vmem>>, vector<1x3201xf32>,
      %swap3A_14 = arith.constant 0 : index
      %swap3A_15 = arith.constant 0 : index
      %swap3A_16 = vector.load %arg3[%swap3A_14, %swap3A_15] : memref<1x3201xf32, #tpu.memory_space<vmem>>, vector<1x3201xf32>
      tpu.vector_store %arg3[%swap3A_14, %swap3A_15], %broadcast_in_dim3A_5 {strides = array<i32>} : memref<1x3201xf32, #tpu.memory_space<vmem>>, vector<1x3201xf32>,
    } else {
    }
    %ne3A = arith.constant 0 : i32
    %ne3A_8 = arith.cmpi ne, %arg0, %ne3A : i32
    %convert_element_type3A_9 = arith.extui %ne3A_8 : i1 to i32
    %cond3A_10 = arith.constant 0 : i32
    %cond3A_11 = arith.cmpi ne, %convert_element_type3A_9, %cond3A_10 : i32
    scf.if %cond3A_11 {
      %get3A_12 = arith.constant 0 : index
      %get3A_13 = arith.constant 0 : index
      %get3A_14 = vector.load %arg2[%get3A_12, %get3A_13] : memref<1x3201xf32, #tpu.memory_space<vmem>>, vector<1x3201xf32>
      %add3A = arith.addf %get3A_14, %broadcast_in_dim3A : vector<1x3201xf32>
      %swap3A = arith.constant 0 : index
      %swap3A_15 = arith.constant 0 : index
      %swap3A_16 = vector.load %arg2[%swap3A, %swap3A_15] : memref<1x3201xf32, #tpu.memory_space<vmem>>, vector<1x3201xf32>
      tpu.vector_store %arg2[%swap3A, %swap3A_15], %add3A {strides = array<i32>} : memref<1x3201xf32, #tpu.memory_space<vmem>>, vector<1x3201xf32>,
      %get3A_17 = arith.constant 0 : index
      %get3A_18 = arith.constant 0 : index
      %get3A_19 = vector.load %arg3[%get3A_17, %get3A_18] : memref<1x3201xf32, #tpu.memory_space<vmem>>, vector<1x3201xf32>
      %add3A_20 = arith.addf %get3A_19, %broadcast_in_dim3A_5 : vector<1x3201xf32>
      %swap3A_21 = arith.constant 0 : index
      %swap3A_22 = arith.constant 0 : index
      %swap3A_23 = vector.load %arg3[%swap3A_21, %swap3A_22] : memref<1x3201xf32, #tpu.memory_space<vmem>>, vector<1x3201xf32>
      tpu.vector_store %arg3[%swap3A_21, %swap3A_22], %add3A_20 {strides = array<i32>} : memref<1x3201xf32, #tpu.memory_space<vmem>>, vector<1x3201xf32>,
    } else {
    }
    return
  }
  func.func @transform_0(%arg0: i32) -> (i32, i32) {
    %c0_i32 = arith.constant 0 : i32
    %c0_i32_0 = arith.constant 0 : i32
    return %arg0, %c0_i32 : i32, i32
  }
  func.func @transform_1(%arg0: i32) -> (i32, i32) {
    %c0_i32 = arith.constant 0 : i32
    %c0_i32_0 = arith.constant 0 : i32
    %c0_i32_1 = arith.constant 0 : i32
    return %c0_i32, %c0_i32_0 : i32, i32
  }
  func.func @transform_2(%arg0: i32) -> (i32, i32) {
    %c0_i32 = arith.constant 0 : i32
    %c0_i32_0 = arith.constant 0 : i32
    %c0_i32_1 = arith.constant 0 : i32
    return %c0_i32, %c0_i32_0 : i32, i32
  }
}

module attributes {stable_mosaic.version = 14 : i64} {
  func.func @_affmm_body(%arg0: i32, %arg1: memref<400x3201xf32, #tpu.memory_space<vmem>>, %arg2: memref<1x3201xf32, #tpu.memory_space<vmem>>, %arg3: memref<1x3201xf32, #tpu.memory_space<vmem>>, %arg4: memref<3201x1024xf32, #tpu.memory_space<vmem>>, %arg5: memref<400x1024xf32, #tpu.memory_space<vmem>>) attributes {dimension_semantics = [#tpu.dimension_semantics<arbitrary>], iteration_bounds = array<i64: 25>, scalar_prefetch = 0 : i64, scratch_operands = 0 : i64, tpu.core_type = #tpu.core_type<tc>, window_params = [{transform_indices = @transform_0, window_bounds = array<i64: 400, 3201>}, {pipeline_mode = #tpu.pipeline_mode<synchronous>, transform_indices = @transform_1, window_bounds = array<i64: 1, 3201>}, {pipeline_mode = #tpu.pipeline_mode<synchronous>, transform_indices = @transform_2, window_bounds = array<i64: 1, 3201>}, {pipeline_mode = #tpu.pipeline_mode<synchronous>, transform_indices = @transform_3, window_bounds = array<i64: 3201, 1024>}, {transform_indices = @transform_4, window_bounds = array<i64: 400, 1024>}]} {
    %get3A = arith.constant 0 : index
    %get3A_0 = arith.constant 0 : index
    %get3A_1 = vector.load %arg1[%get3A, %get3A_0] : memref<400x3201xf32, #tpu.memory_space<vmem>>, vector<400x3201xf32>
    %get3A_2 = arith.constant 0 : index
    %get3A_3 = arith.constant 0 : index
    %get3A_4 = vector.load %arg2[%get3A_2, %get3A_3] : memref<1x3201xf32, #tpu.memory_space<vmem>>, vector<1x3201xf32>
    %mul3A = vector.broadcast %get3A_4 : vector<1x3201xf32> to vector<400x3201xf32>
    %mul3A_5 = arith.mulf %get3A_1, %mul3A : vector<400x3201xf32>
    %get3A_6 = arith.constant 0 : index
    %get3A_7 = arith.constant 0 : index
    %get3A_8 = vector.load %arg3[%get3A_6, %get3A_7] : memref<1x3201xf32, #tpu.memory_space<vmem>>, vector<1x3201xf32>
    %add3A = vector.broadcast %get3A_8 : vector<1x3201xf32> to vector<400x3201xf32>
    %add3A_9 = arith.addf %mul3A_5, %add3A : vector<400x3201xf32>
    %convert_element_type3A = arith.truncf %add3A_9 : vector<400x3201xf32> to vector<400x3201xbf16>
    %get3A_10 = arith.constant 0 : index
    %get3A_11 = arith.constant 0 : index
    %get3A_12 = vector.load %arg4[%get3A_10, %get3A_11] : memref<3201x1024xf32, #tpu.memory_space<vmem>>, vector<3201x1024xf32>
    %convert_element_type3A_13 = arith.truncf %get3A_12 : vector<3201x1024xf32> to vector<3201x1024xbf16>
    %dot_general3A = arith.constant dense<0.000000e+00> : vector<400x1024xf32>
    %dot_general3A_14 = tpu.matmul %convert_element_type3A, %convert_element_type3A_13, %dot_general3A {dimension_numbers = #tpu.dot_dimension_numbers<[1], [0], [0], [1], [0, 0, 1, 1], [], []>, transpose_lhs_hint = false} : vector<400x3201xbf16>, vector<3201x1024xbf16>, vector<400x1024xf32> -> vector<400x1024xf32>
    %swap3A = arith.constant 0 : index
    %swap3A_15 = arith.constant 0 : index
    %swap3A_16 = vector.load %arg5[%swap3A, %swap3A_15] : memref<400x1024xf32, #tpu.memory_space<vmem>>, vector<400x1024xf32>
    tpu.vector_store %arg5[%swap3A, %swap3A_15], %dot_general3A_14 {strides = array<i32>} : memref<400x1024xf32, #tpu.memory_space<vmem>>, vector<400x1024xf32>,
    return
  }
  func.func @transform_0(%arg0: i32) -> (i32, i32) {
    %c0_i32 = arith.constant 0 : i32
    %c0_i32_0 = arith.constant 0 : i32
    return %arg0, %c0_i32 : i32, i32
  }
  func.func @transform_1(%arg0: i32) -> (i32, i32) {
    %c0_i32 = arith.constant 0 : i32
    %c0_i32_0 = arith.constant 0 : i32
    %c0_i32_1 = arith.constant 0 : i32
    return %c0_i32, %c0_i32_0 : i32, i32
  }
  func.func @transform_2(%arg0: i32) -> (i32, i32) {
    %c0_i32 = arith.constant 0 : i32
    %c0_i32_0 = arith.constant 0 : i32
    %c0_i32_1 = arith.constant 0 : i32
    return %c0_i32, %c0_i32_0 : i32, i32
  }
  func.func @transform_3(%arg0: i32) -> (i32, i32) {
    %c0_i32 = arith.constant 0 : i32
    %c0_i32_0 = arith.constant 0 : i32
    %c0_i32_1 = arith.constant 0 : i32
    return %c0_i32, %c0_i32_0 : i32, i32
  }
  func.func @transform_4(%arg0: i32) -> (i32, i32) {
    %c0_i32 = arith.constant 0 : i32
    %c0_i32_0 = arith.constant 0 : i32
    return %arg0, %c0_i32 : i32, i32
  }
}

module attributes {stable_mosaic.version = 14 : i64} {
  func.func @_mm_body(%arg0: i32, %arg1: i32, %arg2: memref<1000x1024xbf16, #tpu.memory_space<vmem>>, %arg3: memref<1024x1024xbf16, #tpu.memory_space<vmem>>, %arg4: memref<1000x1024xf32, #tpu.memory_space<vmem>>) attributes {dimension_semantics = [#tpu.dimension_semantics<arbitrary>, #tpu.dimension_semantics<arbitrary>], iteration_bounds = array<i64: 10, 10>, scalar_prefetch = 0 : i64, scratch_operands = 0 : i64, tpu.core_type = #tpu.core_type<tc>, window_params = [{transform_indices = @transform_0, window_bounds = array<i64: 1000, 1024>}, {transform_indices = @transform_1, window_bounds = array<i64: 1024, 1024>}, {transform_indices = @transform_2, window_bounds = array<i64: 1000, 1024>}]} {
    %get3A = arith.constant 0 : index
    %get3A_0 = arith.constant 0 : index
    %get3A_1 = vector.load %arg2[%get3A, %get3A_0] : memref<1000x1024xbf16, #tpu.memory_space<vmem>>, vector<1000x1024xbf16>
    %get3A_2 = arith.constant 0 : index
    %get3A_3 = arith.constant 0 : index
    %get3A_4 = vector.load %arg3[%get3A_2, %get3A_3] : memref<1024x1024xbf16, #tpu.memory_space<vmem>>, vector<1024x1024xbf16>
    %dot_general3A = arith.constant dense<0.000000e+00> : vector<1000x1024xf32>
    %dot_general3A_5 = tpu.matmul %get3A_1, %get3A_4, %dot_general3A {dimension_numbers = #tpu.dot_dimension_numbers<[1], [0], [0], [1], [0, 0, 1, 1], [], []>, transpose_lhs_hint = false} : vector<1000x1024xbf16>, vector<1024x1024xbf16>, vector<1000x1024xf32> -> vector<1000x1024xf32>
    %eq3A = arith.constant 0 : i32
    %eq3A_6 = arith.cmpi eq, %arg1, %eq3A : i32
    %convert_element_type3A = arith.extui %eq3A_6 : i1 to i32
    %cond3A = arith.constant 0 : i32
    %cond3A_7 = arith.cmpi ne, %convert_element_type3A, %cond3A : i32
    scf.if %cond3A_7 {
      %swap3A = arith.constant 0 : index
      %swap3A_12 = arith.constant 0 : index
      %swap3A_13 = vector.load %arg4[%swap3A, %swap3A_12] : memref<1000x1024xf32, #tpu.memory_space<vmem>>, vector<1000x1024xf32>
      tpu.vector_store %arg4[%swap3A, %swap3A_12], %dot_general3A_5 {strides = array<i32>} : memref<1000x1024xf32, #tpu.memory_space<vmem>>, vector<1000x1024xf32>,
    } else {
    }
    %ne3A = arith.constant 0 : i32
    %ne3A_8 = arith.cmpi ne, %arg1, %ne3A : i32
    %convert_element_type3A_9 = arith.extui %ne3A_8 : i1 to i32
    %cond3A_10 = arith.constant 0 : i32
    %cond3A_11 = arith.cmpi ne, %convert_element_type3A_9, %cond3A_10 : i32
    scf.if %cond3A_11 {
      %get3A_12 = arith.constant 0 : index
      %get3A_13 = arith.constant 0 : index
      %get3A_14 = vector.load %arg4[%get3A_12, %get3A_13] : memref<1000x1024xf32, #tpu.memory_space<vmem>>, vector<1000x1024xf32>
      %add3A = arith.addf %get3A_14, %dot_general3A_5 : vector<1000x1024xf32>
      %swap3A = arith.constant 0 : index
      %swap3A_15 = arith.constant 0 : index
      %swap3A_16 = vector.load %arg4[%swap3A, %swap3A_15] : memref<1000x1024xf32, #tpu.memory_space<vmem>>, vector<1000x1024xf32>
      tpu.vector_store %arg4[%swap3A, %swap3A_15], %add3A {strides = array<i32>} : memref<1000x1024xf32, #tpu.memory_space<vmem>>, vector<1000x1024xf32>,
    } else {
    }
    return
  }
  func.func @transform_0(%arg0: i32, %arg1: i32) -> (i32, i32) {
    %c0_i32 = arith.constant 0 : i32
    return %arg0, %arg1 : i32, i32
  }
  func.func @transform_1(%arg0: i32, %arg1: i32) -> (i32, i32) {
    %c0_i32 = arith.constant 0 : i32
    %c0_i32_0 = arith.constant 0 : i32
    return %arg1, %c0_i32 : i32, i32
  }
  func.func @transform_2(%arg0: i32, %arg1: i32) -> (i32, i32) {
    %c0_i32 = arith.constant 0 : i32
    %c0_i32_0 = arith.constant 0 : i32
    return %arg0, %c0_i32 : i32, i32
  }
}

module attributes {stable_mosaic.version = 14 : i64} {
  func.func @_stats_body(%arg0: i32, %arg1: memref<400x1024xf32, #tpu.memory_space<vmem>>, %arg2: memref<1x1024xf32, #tpu.memory_space<vmem>>, %arg3: memref<1x1024xf32, #tpu.memory_space<vmem>>) attributes {dimension_semantics = [#tpu.dimension_semantics<arbitrary>], iteration_bounds = array<i64: 25>, scalar_prefetch = 0 : i64, scratch_operands = 0 : i64, tpu.core_type = #tpu.core_type<tc>, window_params = [{transform_indices = @transform_0, window_bounds = array<i64: 400, 1024>}, {pipeline_mode = #tpu.pipeline_mode<synchronous>, transform_indices = @transform_1, window_bounds = array<i64: 1, 1024>}, {pipeline_mode = #tpu.pipeline_mode<synchronous>, transform_indices = @transform_2, window_bounds = array<i64: 1, 1024>}]} {
    %get3A = arith.constant 0 : index
    %get3A_0 = arith.constant 0 : index
    %get3A_1 = vector.load %arg1[%get3A, %get3A_0] : memref<400x1024xf32, #tpu.memory_space<vmem>>, vector<400x1024xf32>
    %reduce_sum3A = arith.constant dense<0.000000e+00> : vector<1024xf32>
    %reduce_sum3A_2 = vector.multi_reduction <add>, %get3A_1, %reduce_sum3A [0] : vector<400x1024xf32> to vector<1024xf32>
    %broadcast_in_dim3A = vector.shape_cast %reduce_sum3A_2 : vector<1024xf32> to vector<1x1024xf32>
    %mul3A = arith.mulf %get3A_1, %get3A_1 : vector<400x1024xf32>
    %reduce_sum3A_3 = arith.constant dense<0.000000e+00> : vector<1024xf32>
    %reduce_sum3A_4 = vector.multi_reduction <add>, %mul3A, %reduce_sum3A_3 [0] : vector<400x1024xf32> to vector<1024xf32>
    %broadcast_in_dim3A_5 = vector.shape_cast %reduce_sum3A_4 : vector<1024xf32> to vector<1x1024xf32>
    %eq3A = arith.constant 0 : i32
    %eq3A_6 = arith.cmpi eq, %arg0, %eq3A : i32
    %convert_element_type3A = arith.extui %eq3A_6 : i1 to i32
    %cond3A = arith.constant 0 : i32
    %cond3A_7 = arith.cmpi ne, %convert_element_type3A, %cond3A : i32
    scf.if %cond3A_7 {
      %swap3A = arith.constant 0 : index
      %swap3A_12 = arith.constant 0 : index
      %swap3A_13 = vector.load %arg2[%swap3A, %swap3A_12] : memref<1x1024xf32, #tpu.memory_space<vmem>>, vector<1x1024xf32>
      tpu.vector_store %arg2[%swap3A, %swap3A_12], %broadcast_in_dim3A {strides = array<i32>} : memref<1x1024xf32, #tpu.memory_space<vmem>>, vector<1x1024xf32>,
      %swap3A_14 = arith.constant 0 : index
      %swap3A_15 = arith.constant 0 : index
      %swap3A_16 = vector.load %arg3[%swap3A_14, %swap3A_15] : memref<1x1024xf32, #tpu.memory_space<vmem>>, vector<1x1024xf32>
      tpu.vector_store %arg3[%swap3A_14, %swap3A_15], %broadcast_in_dim3A_5 {strides = array<i32>} : memref<1x1024xf32, #tpu.memory_space<vmem>>, vector<1x1024xf32>,
    } else {
    }
    %ne3A = arith.constant 0 : i32
    %ne3A_8 = arith.cmpi ne, %arg0, %ne3A : i32
    %convert_element_type3A_9 = arith.extui %ne3A_8 : i1 to i32
    %cond3A_10 = arith.constant 0 : i32
    %cond3A_11 = arith.cmpi ne, %convert_element_type3A_9, %cond3A_10 : i32
    scf.if %cond3A_11 {
      %get3A_12 = arith.constant 0 : index
      %get3A_13 = arith.constant 0 : index
      %get3A_14 = vector.load %arg2[%get3A_12, %get3A_13] : memref<1x1024xf32, #tpu.memory_space<vmem>>, vector<1x1024xf32>
      %add3A = arith.addf %get3A_14, %broadcast_in_dim3A : vector<1x1024xf32>
      %swap3A = arith.constant 0 : index
      %swap3A_15 = arith.constant 0 : index
      %swap3A_16 = vector.load %arg2[%swap3A, %swap3A_15] : memref<1x1024xf32, #tpu.memory_space<vmem>>, vector<1x1024xf32>
      tpu.vector_store %arg2[%swap3A, %swap3A_15], %add3A {strides = array<i32>} : memref<1x1024xf32, #tpu.memory_space<vmem>>, vector<1x1024xf32>,
      %get3A_17 = arith.constant 0 : index
      %get3A_18 = arith.constant 0 : index
      %get3A_19 = vector.load %arg3[%get3A_17, %get3A_18] : memref<1x1024xf32, #tpu.memory_space<vmem>>, vector<1x1024xf32>
      %add3A_20 = arith.addf %get3A_19, %broadcast_in_dim3A_5 : vector<1x1024xf32>
      %swap3A_21 = arith.constant 0 : index
      %swap3A_22 = arith.constant 0 : index
      %swap3A_23 = vector.load %arg3[%swap3A_21, %swap3A_22] : memref<1x1024xf32, #tpu.memory_space<vmem>>, vector<1x1024xf32>
      tpu.vector_store %arg3[%swap3A_21, %swap3A_22], %add3A_20 {strides = array<i32>} : memref<1x1024xf32, #tpu.memory_space<vmem>>, vector<1x1024xf32>,
    } else {
    }
    return
  }
  func.func @transform_0(%arg0: i32) -> (i32, i32) {
    %c0_i32 = arith.constant 0 : i32
    %c0_i32_0 = arith.constant 0 : i32
    return %arg0, %c0_i32 : i32, i32
  }
  func.func @transform_1(%arg0: i32) -> (i32, i32) {
    %c0_i32 = arith.constant 0 : i32
    %c0_i32_0 = arith.constant 0 : i32
    %c0_i32_1 = arith.constant 0 : i32
    return %c0_i32, %c0_i32_0 : i32, i32
  }
  func.func @transform_2(%arg0: i32) -> (i32, i32) {
    %c0_i32 = arith.constant 0 : i32
    %c0_i32_0 = arith.constant 0 : i32
    %c0_i32_1 = arith.constant 0 : i32
    return %c0_i32, %c0_i32_0 : i32, i32
  }
}

module attributes {stable_mosaic.version = 14 : i64} {
  func.func @_affmm_body(%arg0: i32, %arg1: memref<400x1024xf32, #tpu.memory_space<vmem>>, %arg2: memref<1x1024xf32, #tpu.memory_space<vmem>>, %arg3: memref<1x1024xf32, #tpu.memory_space<vmem>>, %arg4: memref<1024x512xf32, #tpu.memory_space<vmem>>, %arg5: memref<400x512xf32, #tpu.memory_space<vmem>>) attributes {dimension_semantics = [#tpu.dimension_semantics<arbitrary>], iteration_bounds = array<i64: 25>, scalar_prefetch = 0 : i64, scratch_operands = 0 : i64, tpu.core_type = #tpu.core_type<tc>, window_params = [{transform_indices = @transform_0, window_bounds = array<i64: 400, 1024>}, {pipeline_mode = #tpu.pipeline_mode<synchronous>, transform_indices = @transform_1, window_bounds = array<i64: 1, 1024>}, {pipeline_mode = #tpu.pipeline_mode<synchronous>, transform_indices = @transform_2, window_bounds = array<i64: 1, 1024>}, {pipeline_mode = #tpu.pipeline_mode<synchronous>, transform_indices = @transform_3, window_bounds = array<i64: 1024, 512>}, {transform_indices = @transform_4, window_bounds = array<i64: 400, 512>}]} {
    %get3A = arith.constant 0 : index
    %get3A_0 = arith.constant 0 : index
    %get3A_1 = vector.load %arg1[%get3A, %get3A_0] : memref<400x1024xf32, #tpu.memory_space<vmem>>, vector<400x1024xf32>
    %get3A_2 = arith.constant 0 : index
    %get3A_3 = arith.constant 0 : index
    %get3A_4 = vector.load %arg2[%get3A_2, %get3A_3] : memref<1x1024xf32, #tpu.memory_space<vmem>>, vector<1x1024xf32>
    %mul3A = vector.broadcast %get3A_4 : vector<1x1024xf32> to vector<400x1024xf32>
    %mul3A_5 = arith.mulf %get3A_1, %mul3A : vector<400x1024xf32>
    %get3A_6 = arith.constant 0 : index
    %get3A_7 = arith.constant 0 : index
    %get3A_8 = vector.load %arg3[%get3A_6, %get3A_7] : memref<1x1024xf32, #tpu.memory_space<vmem>>, vector<1x1024xf32>
    %add3A = vector.broadcast %get3A_8 : vector<1x1024xf32> to vector<400x1024xf32>
    %add3A_9 = arith.addf %mul3A_5, %add3A : vector<400x1024xf32>
    %max3A = arith.constant 0.000000e+00 : f32
    %max3A_10 = vector.broadcast %max3A : f32 to vector<400x1024xf32>
    %max3A_11 = arith.maximumf %add3A_9, %max3A_10 : vector<400x1024xf32>
    %convert_element_type3A = arith.truncf %max3A_11 : vector<400x1024xf32> to vector<400x1024xbf16>
    %get3A_12 = arith.constant 0 : index
    %get3A_13 = arith.constant 0 : index
    %get3A_14 = vector.load %arg4[%get3A_12, %get3A_13] : memref<1024x512xf32, #tpu.memory_space<vmem>>, vector<1024x512xf32>
    %convert_element_type3A_15 = arith.truncf %get3A_14 : vector<1024x512xf32> to vector<1024x512xbf16>
    %dot_general3A = arith.constant dense<0.000000e+00> : vector<400x512xf32>
    %dot_general3A_16 = tpu.matmul %convert_element_type3A, %convert_element_type3A_15, %dot_general3A {dimension_numbers = #tpu.dot_dimension_numbers<[1], [0], [0], [1], [0, 0, 1, 1], [], []>, transpose_lhs_hint = false} : vector<400x1024xbf16>, vector<1024x512xbf16>, vector<400x512xf32> -> vector<400x512xf32>
    %swap3A = arith.constant 0 : index
    %swap3A_17 = arith.constant 0 : index
    %swap3A_18 = vector.load %arg5[%swap3A, %swap3A_17] : memref<400x512xf32, #tpu.memory_space<vmem>>, vector<400x512xf32>
    tpu.vector_store %arg5[%swap3A, %swap3A_17], %dot_general3A_16 {strides = array<i32>} : memref<400x512xf32, #tpu.memory_space<vmem>>, vector<400x512xf32>,
    return
  }
  func.func @transform_0(%arg0: i32) -> (i32, i32) {
    %c0_i32 = arith.constant 0 : i32
    %c0_i32_0 = arith.constant 0 : i32
    return %arg0, %c0_i32 : i32, i32
  }
  func.func @transform_1(%arg0: i32) -> (i32, i32) {
    %c0_i32 = arith.constant 0 : i32
    %c0_i32_0 = arith.constant 0 : i32
    %c0_i32_1 = arith.constant 0 : i32
    return %c0_i32, %c0_i32_0 : i32, i32
  }
  func.func @transform_2(%arg0: i32) -> (i32, i32) {
    %c0_i32 = arith.constant 0 : i32
    %c0_i32_0 = arith.constant 0 : i32
    %c0_i32_1 = arith.constant 0 : i32
    return %c0_i32, %c0_i32_0 : i32, i32
  }
  func.func @transform_3(%arg0: i32) -> (i32, i32) {
    %c0_i32 = arith.constant 0 : i32
    %c0_i32_0 = arith.constant 0 : i32
    %c0_i32_1 = arith.constant 0 : i32
    return %c0_i32, %c0_i32_0 : i32, i32
  }
  func.func @transform_4(%arg0: i32) -> (i32, i32) {
    %c0_i32 = arith.constant 0 : i32
    %c0_i32_0 = arith.constant 0 : i32
    return %arg0, %c0_i32 : i32, i32
  }
}

module attributes {stable_mosaic.version = 14 : i64} {
  func.func @_mm_body(%arg0: i32, %arg1: i32, %arg2: memref<1000x1024xbf16, #tpu.memory_space<vmem>>, %arg3: memref<1024x512xbf16, #tpu.memory_space<vmem>>, %arg4: memref<1000x512xf32, #tpu.memory_space<vmem>>) attributes {dimension_semantics = [#tpu.dimension_semantics<arbitrary>, #tpu.dimension_semantics<arbitrary>], iteration_bounds = array<i64: 10, 10>, scalar_prefetch = 0 : i64, scratch_operands = 0 : i64, tpu.core_type = #tpu.core_type<tc>, window_params = [{transform_indices = @transform_0, window_bounds = array<i64: 1000, 1024>}, {transform_indices = @transform_1, window_bounds = array<i64: 1024, 512>}, {transform_indices = @transform_2, window_bounds = array<i64: 1000, 512>}]} {
    %get3A = arith.constant 0 : index
    %get3A_0 = arith.constant 0 : index
    %get3A_1 = vector.load %arg2[%get3A, %get3A_0] : memref<1000x1024xbf16, #tpu.memory_space<vmem>>, vector<1000x1024xbf16>
    %get3A_2 = arith.constant 0 : index
    %get3A_3 = arith.constant 0 : index
    %get3A_4 = vector.load %arg3[%get3A_2, %get3A_3] : memref<1024x512xbf16, #tpu.memory_space<vmem>>, vector<1024x512xbf16>
    %dot_general3A = arith.constant dense<0.000000e+00> : vector<1000x512xf32>
    %dot_general3A_5 = tpu.matmul %get3A_1, %get3A_4, %dot_general3A {dimension_numbers = #tpu.dot_dimension_numbers<[1], [0], [0], [1], [0, 0, 1, 1], [], []>, transpose_lhs_hint = false} : vector<1000x1024xbf16>, vector<1024x512xbf16>, vector<1000x512xf32> -> vector<1000x512xf32>
    %eq3A = arith.constant 0 : i32
    %eq3A_6 = arith.cmpi eq, %arg1, %eq3A : i32
    %convert_element_type3A = arith.extui %eq3A_6 : i1 to i32
    %cond3A = arith.constant 0 : i32
    %cond3A_7 = arith.cmpi ne, %convert_element_type3A, %cond3A : i32
    scf.if %cond3A_7 {
      %swap3A = arith.constant 0 : index
      %swap3A_12 = arith.constant 0 : index
      %swap3A_13 = vector.load %arg4[%swap3A, %swap3A_12] : memref<1000x512xf32, #tpu.memory_space<vmem>>, vector<1000x512xf32>
      tpu.vector_store %arg4[%swap3A, %swap3A_12], %dot_general3A_5 {strides = array<i32>} : memref<1000x512xf32, #tpu.memory_space<vmem>>, vector<1000x512xf32>,
    } else {
    }
    %ne3A = arith.constant 0 : i32
    %ne3A_8 = arith.cmpi ne, %arg1, %ne3A : i32
    %convert_element_type3A_9 = arith.extui %ne3A_8 : i1 to i32
    %cond3A_10 = arith.constant 0 : i32
    %cond3A_11 = arith.cmpi ne, %convert_element_type3A_9, %cond3A_10 : i32
    scf.if %cond3A_11 {
      %get3A_12 = arith.constant 0 : index
      %get3A_13 = arith.constant 0 : index
      %get3A_14 = vector.load %arg4[%get3A_12, %get3A_13] : memref<1000x512xf32, #tpu.memory_space<vmem>>, vector<1000x512xf32>
      %add3A = arith.addf %get3A_14, %dot_general3A_5 : vector<1000x512xf32>
      %swap3A = arith.constant 0 : index
      %swap3A_15 = arith.constant 0 : index
      %swap3A_16 = vector.load %arg4[%swap3A, %swap3A_15] : memref<1000x512xf32, #tpu.memory_space<vmem>>, vector<1000x512xf32>
      tpu.vector_store %arg4[%swap3A, %swap3A_15], %add3A {strides = array<i32>} : memref<1000x512xf32, #tpu.memory_space<vmem>>, vector<1000x512xf32>,
    } else {
    }
    return
  }
  func.func @transform_0(%arg0: i32, %arg1: i32) -> (i32, i32) {
    %c0_i32 = arith.constant 0 : i32
    return %arg0, %arg1 : i32, i32
  }
  func.func @transform_1(%arg0: i32, %arg1: i32) -> (i32, i32) {
    %c0_i32 = arith.constant 0 : i32
    %c0_i32_0 = arith.constant 0 : i32
    return %arg1, %c0_i32 : i32, i32
  }
  func.func @transform_2(%arg0: i32, %arg1: i32) -> (i32, i32) {
    %c0_i32 = arith.constant 0 : i32
    %c0_i32_0 = arith.constant 0 : i32
    return %arg0, %c0_i32 : i32, i32
  }
}

module attributes {stable_mosaic.version = 14 : i64} {
  func.func @_stats_body(%arg0: i32, %arg1: memref<400x512xf32, #tpu.memory_space<vmem>>, %arg2: memref<1x512xf32, #tpu.memory_space<vmem>>, %arg3: memref<1x512xf32, #tpu.memory_space<vmem>>) attributes {dimension_semantics = [#tpu.dimension_semantics<arbitrary>], iteration_bounds = array<i64: 25>, scalar_prefetch = 0 : i64, scratch_operands = 0 : i64, tpu.core_type = #tpu.core_type<tc>, window_params = [{transform_indices = @transform_0, window_bounds = array<i64: 400, 512>}, {pipeline_mode = #tpu.pipeline_mode<synchronous>, transform_indices = @transform_1, window_bounds = array<i64: 1, 512>}, {pipeline_mode = #tpu.pipeline_mode<synchronous>, transform_indices = @transform_2, window_bounds = array<i64: 1, 512>}]} {
    %get3A = arith.constant 0 : index
    %get3A_0 = arith.constant 0 : index
    %get3A_1 = vector.load %arg1[%get3A, %get3A_0] : memref<400x512xf32, #tpu.memory_space<vmem>>, vector<400x512xf32>
    %reduce_sum3A = arith.constant dense<0.000000e+00> : vector<512xf32>
    %reduce_sum3A_2 = vector.multi_reduction <add>, %get3A_1, %reduce_sum3A [0] : vector<400x512xf32> to vector<512xf32>
    %broadcast_in_dim3A = vector.shape_cast %reduce_sum3A_2 : vector<512xf32> to vector<1x512xf32>
    %mul3A = arith.mulf %get3A_1, %get3A_1 : vector<400x512xf32>
    %reduce_sum3A_3 = arith.constant dense<0.000000e+00> : vector<512xf32>
    %reduce_sum3A_4 = vector.multi_reduction <add>, %mul3A, %reduce_sum3A_3 [0] : vector<400x512xf32> to vector<512xf32>
    %broadcast_in_dim3A_5 = vector.shape_cast %reduce_sum3A_4 : vector<512xf32> to vector<1x512xf32>
    %eq3A = arith.constant 0 : i32
    %eq3A_6 = arith.cmpi eq, %arg0, %eq3A : i32
    %convert_element_type3A = arith.extui %eq3A_6 : i1 to i32
    %cond3A = arith.constant 0 : i32
    %cond3A_7 = arith.cmpi ne, %convert_element_type3A, %cond3A : i32
    scf.if %cond3A_7 {
      %swap3A = arith.constant 0 : index
      %swap3A_12 = arith.constant 0 : index
      %swap3A_13 = vector.load %arg2[%swap3A, %swap3A_12] : memref<1x512xf32, #tpu.memory_space<vmem>>, vector<1x512xf32>
      tpu.vector_store %arg2[%swap3A, %swap3A_12], %broadcast_in_dim3A {strides = array<i32>} : memref<1x512xf32, #tpu.memory_space<vmem>>, vector<1x512xf32>,
      %swap3A_14 = arith.constant 0 : index
      %swap3A_15 = arith.constant 0 : index
      %swap3A_16 = vector.load %arg3[%swap3A_14, %swap3A_15] : memref<1x512xf32, #tpu.memory_space<vmem>>, vector<1x512xf32>
      tpu.vector_store %arg3[%swap3A_14, %swap3A_15], %broadcast_in_dim3A_5 {strides = array<i32>} : memref<1x512xf32, #tpu.memory_space<vmem>>, vector<1x512xf32>,
    } else {
    }
    %ne3A = arith.constant 0 : i32
    %ne3A_8 = arith.cmpi ne, %arg0, %ne3A : i32
    %convert_element_type3A_9 = arith.extui %ne3A_8 : i1 to i32
    %cond3A_10 = arith.constant 0 : i32
    %cond3A_11 = arith.cmpi ne, %convert_element_type3A_9, %cond3A_10 : i32
    scf.if %cond3A_11 {
      %get3A_12 = arith.constant 0 : index
      %get3A_13 = arith.constant 0 : index
      %get3A_14 = vector.load %arg2[%get3A_12, %get3A_13] : memref<1x512xf32, #tpu.memory_space<vmem>>, vector<1x512xf32>
      %add3A = arith.addf %get3A_14, %broadcast_in_dim3A : vector<1x512xf32>
      %swap3A = arith.constant 0 : index
      %swap3A_15 = arith.constant 0 : index
      %swap3A_16 = vector.load %arg2[%swap3A, %swap3A_15] : memref<1x512xf32, #tpu.memory_space<vmem>>, vector<1x512xf32>
      tpu.vector_store %arg2[%swap3A, %swap3A_15], %add3A {strides = array<i32>} : memref<1x512xf32, #tpu.memory_space<vmem>>, vector<1x512xf32>,
      %get3A_17 = arith.constant 0 : index
      %get3A_18 = arith.constant 0 : index
      %get3A_19 = vector.load %arg3[%get3A_17, %get3A_18] : memref<1x512xf32, #tpu.memory_space<vmem>>, vector<1x512xf32>
      %add3A_20 = arith.addf %get3A_19, %broadcast_in_dim3A_5 : vector<1x512xf32>
      %swap3A_21 = arith.constant 0 : index
      %swap3A_22 = arith.constant 0 : index
      %swap3A_23 = vector.load %arg3[%swap3A_21, %swap3A_22] : memref<1x512xf32, #tpu.memory_space<vmem>>, vector<1x512xf32>
      tpu.vector_store %arg3[%swap3A_21, %swap3A_22], %add3A_20 {strides = array<i32>} : memref<1x512xf32, #tpu.memory_space<vmem>>, vector<1x512xf32>,
    } else {
    }
    return
  }
  func.func @transform_0(%arg0: i32) -> (i32, i32) {
    %c0_i32 = arith.constant 0 : i32
    %c0_i32_0 = arith.constant 0 : i32
    return %arg0, %c0_i32 : i32, i32
  }
  func.func @transform_1(%arg0: i32) -> (i32, i32) {
    %c0_i32 = arith.constant 0 : i32
    %c0_i32_0 = arith.constant 0 : i32
    %c0_i32_1 = arith.constant 0 : i32
    return %c0_i32, %c0_i32_0 : i32, i32
  }
  func.func @transform_2(%arg0: i32) -> (i32, i32) {
    %c0_i32 = arith.constant 0 : i32
    %c0_i32_0 = arith.constant 0 : i32
    %c0_i32_1 = arith.constant 0 : i32
    return %c0_i32, %c0_i32_0 : i32, i32
  }
}

module attributes {stable_mosaic.version = 14 : i64} {
  func.func @_affmm_body(%arg0: i32, %arg1: memref<400x512xf32, #tpu.memory_space<vmem>>, %arg2: memref<1x512xf32, #tpu.memory_space<vmem>>, %arg3: memref<1x512xf32, #tpu.memory_space<vmem>>, %arg4: memref<512x512xf32, #tpu.memory_space<vmem>>, %arg5: memref<400x512xf32, #tpu.memory_space<vmem>>) attributes {dimension_semantics = [#tpu.dimension_semantics<arbitrary>], iteration_bounds = array<i64: 25>, scalar_prefetch = 0 : i64, scratch_operands = 0 : i64, tpu.core_type = #tpu.core_type<tc>, window_params = [{transform_indices = @transform_0, window_bounds = array<i64: 400, 512>}, {pipeline_mode = #tpu.pipeline_mode<synchronous>, transform_indices = @transform_1, window_bounds = array<i64: 1, 512>}, {pipeline_mode = #tpu.pipeline_mode<synchronous>, transform_indices = @transform_2, window_bounds = array<i64: 1, 512>}, {pipeline_mode = #tpu.pipeline_mode<synchronous>, transform_indices = @transform_3, window_bounds = array<i64: 512, 512>}, {transform_indices = @transform_4, window_bounds = array<i64: 400, 512>}]} {
    %get3A = arith.constant 0 : index
    %get3A_0 = arith.constant 0 : index
    %get3A_1 = vector.load %arg1[%get3A, %get3A_0] : memref<400x512xf32, #tpu.memory_space<vmem>>, vector<400x512xf32>
    %get3A_2 = arith.constant 0 : index
    %get3A_3 = arith.constant 0 : index
    %get3A_4 = vector.load %arg2[%get3A_2, %get3A_3] : memref<1x512xf32, #tpu.memory_space<vmem>>, vector<1x512xf32>
    %mul3A = vector.broadcast %get3A_4 : vector<1x512xf32> to vector<400x512xf32>
    %mul3A_5 = arith.mulf %get3A_1, %mul3A : vector<400x512xf32>
    %get3A_6 = arith.constant 0 : index
    %get3A_7 = arith.constant 0 : index
    %get3A_8 = vector.load %arg3[%get3A_6, %get3A_7] : memref<1x512xf32, #tpu.memory_space<vmem>>, vector<1x512xf32>
    %add3A = vector.broadcast %get3A_8 : vector<1x512xf32> to vector<400x512xf32>
    %add3A_9 = arith.addf %mul3A_5, %add3A : vector<400x512xf32>
    %max3A = arith.constant 0.000000e+00 : f32
    %max3A_10 = vector.broadcast %max3A : f32 to vector<400x512xf32>
    %max3A_11 = arith.maximumf %add3A_9, %max3A_10 : vector<400x512xf32>
    %convert_element_type3A = arith.truncf %max3A_11 : vector<400x512xf32> to vector<400x512xbf16>
    %get3A_12 = arith.constant 0 : index
    %get3A_13 = arith.constant 0 : index
    %get3A_14 = vector.load %arg4[%get3A_12, %get3A_13] : memref<512x512xf32, #tpu.memory_space<vmem>>, vector<512x512xf32>
    %convert_element_type3A_15 = arith.truncf %get3A_14 : vector<512x512xf32> to vector<512x512xbf16>
    %dot_general3A = arith.constant dense<0.000000e+00> : vector<400x512xf32>
    %dot_general3A_16 = tpu.matmul %convert_element_type3A, %convert_element_type3A_15, %dot_general3A {dimension_numbers = #tpu.dot_dimension_numbers<[1], [0], [0], [1], [0, 0, 1, 1], [], []>, transpose_lhs_hint = false} : vector<400x512xbf16>, vector<512x512xbf16>, vector<400x512xf32> -> vector<400x512xf32>
    %swap3A = arith.constant 0 : index
    %swap3A_17 = arith.constant 0 : index
    %swap3A_18 = vector.load %arg5[%swap3A, %swap3A_17] : memref<400x512xf32, #tpu.memory_space<vmem>>, vector<400x512xf32>
    tpu.vector_store %arg5[%swap3A, %swap3A_17], %dot_general3A_16 {strides = array<i32>} : memref<400x512xf32, #tpu.memory_space<vmem>>, vector<400x512xf32>,
    return
  }
  func.func @transform_0(%arg0: i32) -> (i32, i32) {
    %c0_i32 = arith.constant 0 : i32
    %c0_i32_0 = arith.constant 0 : i32
    return %arg0, %c0_i32 : i32, i32
  }
  func.func @transform_1(%arg0: i32) -> (i32, i32) {
    %c0_i32 = arith.constant 0 : i32
    %c0_i32_0 = arith.constant 0 : i32
    %c0_i32_1 = arith.constant 0 : i32
    return %c0_i32, %c0_i32_0 : i32, i32
  }
  func.func @transform_2(%arg0: i32) -> (i32, i32) {
    %c0_i32 = arith.constant 0 : i32
    %c0_i32_0 = arith.constant 0 : i32
    %c0_i32_1 = arith.constant 0 : i32
    return %c0_i32, %c0_i32_0 : i32, i32
  }
  func.func @transform_3(%arg0: i32) -> (i32, i32) {
    %c0_i32 = arith.constant 0 : i32
    %c0_i32_0 = arith.constant 0 : i32
    %c0_i32_1 = arith.constant 0 : i32
    return %c0_i32, %c0_i32_0 : i32, i32
  }
  func.func @transform_4(%arg0: i32) -> (i32, i32) {
    %c0_i32 = arith.constant 0 : i32
    %c0_i32_0 = arith.constant 0 : i32
    return %arg0, %c0_i32 : i32, i32
  }
}

module attributes {stable_mosaic.version = 14 : i64} {
  func.func @_final_body(%arg0: i32, %arg1: memref<400x512xf32, #tpu.memory_space<vmem>>, %arg2: memref<1x512xf32, #tpu.memory_space<vmem>>, %arg3: memref<1x512xf32, #tpu.memory_space<vmem>>, %arg4: memref<1x1xf32, #tpu.memory_space<vmem>>, %arg5: memref<400x1xf32, #tpu.memory_space<vmem>>) attributes {dimension_semantics = [#tpu.dimension_semantics<arbitrary>], iteration_bounds = array<i64: 25>, scalar_prefetch = 0 : i64, scratch_operands = 0 : i64, tpu.core_type = #tpu.core_type<tc>, window_params = [{transform_indices = @transform_0, window_bounds = array<i64: 400, 512>}, {pipeline_mode = #tpu.pipeline_mode<synchronous>, transform_indices = @transform_1, window_bounds = array<i64: 1, 512>}, {pipeline_mode = #tpu.pipeline_mode<synchronous>, transform_indices = @transform_2, window_bounds = array<i64: 1, 512>}, {pipeline_mode = #tpu.pipeline_mode<synchronous>, transform_indices = @transform_3, window_bounds = array<i64: 1, 1>}, {transform_indices = @transform_4, window_bounds = array<i64: 400, 1>}]} {
    %get3A = arith.constant 0 : index
    %get3A_0 = arith.constant 0 : index
    %get3A_1 = vector.load %arg1[%get3A, %get3A_0] : memref<400x512xf32, #tpu.memory_space<vmem>>, vector<400x512xf32>
    %get3A_2 = arith.constant 0 : index
    %get3A_3 = arith.constant 0 : index
    %get3A_4 = vector.load %arg2[%get3A_2, %get3A_3] : memref<1x512xf32, #tpu.memory_space<vmem>>, vector<1x512xf32>
    %add3A = vector.broadcast %get3A_4 : vector<1x512xf32> to vector<400x512xf32>
    %add3A_5 = arith.addf %get3A_1, %add3A : vector<400x512xf32>
    %max3A = arith.constant 0.000000e+00 : f32
    %max3A_6 = vector.broadcast %max3A : f32 to vector<400x512xf32>
    %max3A_7 = arith.maximumf %add3A_5, %max3A_6 : vector<400x512xf32>
    %get3A_8 = arith.constant 0 : index
    %get3A_9 = arith.constant 0 : index
    %get3A_10 = vector.load %arg3[%get3A_8, %get3A_9] : memref<1x512xf32, #tpu.memory_space<vmem>>, vector<1x512xf32>
    %mul3A = vector.broadcast %get3A_10 : vector<1x512xf32> to vector<400x512xf32>
    %mul3A_11 = arith.mulf %max3A_7, %mul3A : vector<400x512xf32>
    %reduce_sum3A = arith.constant dense<0.000000e+00> : vector<400xf32>
    %reduce_sum3A_12 = vector.multi_reduction <add>, %mul3A_11, %reduce_sum3A [1] : vector<400x512xf32> to vector<400xf32>
    %broadcast_in_dim3A = vector.shape_cast %reduce_sum3A_12 : vector<400xf32> to vector<400x1xf32>
    %get3A_13 = arith.constant 0 : index
    %get3A_14 = arith.constant 0 : index
    %get3A_15 = vector.load %arg4[%get3A_13, %get3A_14] : memref<1x1xf32, #tpu.memory_space<vmem>>, vector<1x1xf32>
    %add3A_16 = vector.broadcast %get3A_15 : vector<1x1xf32> to vector<400x1xf32>
    %add3A_17 = arith.addf %broadcast_in_dim3A, %add3A_16 : vector<400x1xf32>
    %logistic3A = arith.negf %add3A_17 : vector<400x1xf32>
    %logistic3A_18 = math.exp %logistic3A : vector<400x1xf32>
    %logistic3A_19 = arith.constant 1.000000e+00 : f32
    %logistic3A_20 = vector.broadcast %logistic3A_19 : f32 to vector<400x1xf32>
    %logistic3A_21 = arith.addf %logistic3A_20, %logistic3A_18 : vector<400x1xf32>
    %logistic3A_22 = arith.divf %logistic3A_20, %logistic3A_21 : vector<400x1xf32>
    %swap3A = arith.constant 0 : index
    %swap3A_23 = arith.constant 0 : index
    %swap3A_24 = vector.load %arg5[%swap3A, %swap3A_23] : memref<400x1xf32, #tpu.memory_space<vmem>>, vector<400x1xf32>
    tpu.vector_store %arg5[%swap3A, %swap3A_23], %logistic3A_22 {strides = array<i32>} : memref<400x1xf32, #tpu.memory_space<vmem>>, vector<400x1xf32>,
    return
  }
  func.func @transform_0(%arg0: i32) -> (i32, i32) {
    %c0_i32 = arith.constant 0 : i32
    %c0_i32_0 = arith.constant 0 : i32
    return %arg0, %c0_i32 : i32, i32
  }
  func.func @transform_1(%arg0: i32) -> (i32, i32) {
    %c0_i32 = arith.constant 0 : i32
    %c0_i32_0 = arith.constant 0 : i32
    %c0_i32_1 = arith.constant 0 : i32
    return %c0_i32, %c0_i32_0 : i32, i32
  }
  func.func @transform_2(%arg0: i32) -> (i32, i32) {
    %c0_i32 = arith.constant 0 : i32
    %c0_i32_0 = arith.constant 0 : i32
    %c0_i32_1 = arith.constant 0 : i32
    return %c0_i32, %c0_i32_0 : i32, i32
  }
  func.func @transform_3(%arg0: i32) -> (i32, i32) {
    %c0_i32 = arith.constant 0 : i32
    %c0_i32_0 = arith.constant 0 : i32
    %c0_i32_1 = arith.constant 0 : i32
    return %c0_i32, %c0_i32_0 : i32, i32
  }
  func.func @transform_4(%arg0: i32) -> (i32, i32) {
    %c0_i32 = arith.constant 0 : i32
    %c0_i32_0 = arith.constant 0 : i32
    return %arg0, %c0_i32 : i32, i32
  }
}

</mosaic_0001>

<sc_bundles>
// kernel: gather_offload_async_start.1
scs
__scs_entry_jumppad:
0x0: {  	(pc) =	sbr.rel $0x88, $3  }
0x1: {  	(tag) =	ssettag $0x0;
	lr =	simm.s32 $0x1  }
0x2: {  	[smem:$0x3F8E] =	sst lr;
	_ =	strace $0xD0000000  }
0x3: {  	_ = 	snop  }
0x4: {  	_ = 	snop  }
0x5: {  	_ = 	snop  }
0x6: {  	_ = 	snop  }
0x7: {  	_ = 	snop  }
__scs_overlays_trampoline_lowered:
0x8: {  	[smem:$0x3F9D] =	sst s0  }
0x9: {  	[smem:$0x3F9E] =	sst s1  }
0xa: {  	[smem:$0x3F9F] =	sst s2  }
0xb: {  	[smem:$0x3FA0] =	sst s3  }
0xc: {  	[smem:$0x3FA1] =	sst s4  }
0xd: {  	[smem:$0x3FA2] =	sst s5  }
0xe: {  	[smem:$0x3FA3] =	sst s6  }
0xf: {  	[smem:$0x3FA4] =	sst s7  }
0x10: {  	[smem:$0x3FA5] =	sst s8  }
0x11: {  	[smem:$0x3FA6] =	sst s9;
	s0 =	simm.s32 @!p0 $0x0  }
0x12: {  	s1 =	sld [smem:$0x3F8C];
	s0 =	simm.s32 @p0 $0x1  }
0x13: {  	[smem:$0x3FA7] =	sst s0;
	s0 =	simm.s32 @!p1 $0x0  }
0x14: {  	s2 =	sld [smem:$0x3F8B];
	s0 =	simm.s32 @p1 $0x1  }
0x15: {  	[smem:$0x3FA8] =	sst s0;
	s0 =	simm.s32 @!p2 $0x0  }
0x16: {  	s3 =	sld [smem:$0x3FDB];
	s0 =	simm.s32 @p2 $0x1  }
0x17: {  	s4 =	simm.s32 $0x1BF5;
	[smem:$0x3FAA] =	sst s0  }
0x18: {  	s0 =	sld [smem:$0x3F8D];
	_ =	swait.ge [sflag:s4], $0x0  }
0x19: {  	s7 =	sld [smem:$0x3F8E]  }
0x1a: {  	s8 =	sadd.s32 $0xFFFFE003, lr  }
0x1b: {  	s9 =	sadd.s32 $0xFFFFFEF7, lr;
	s5 =	simm.s32 $0xFFFFFFFF;
	p2 =	slt.u32 s8, $0xFFFFF086  }
0x1c: {  	p1 =	slt.u32 s9, $0xF7A;
	s5 =	simm.s32 @!p2 $0x0  }
0x1d: {  	s5 =	simm.s32 @p1 $0x1;
	p0 =	seq.s32 s7, s2  }
0x1e: {  	s7 =	smul.u32 @!p0 $0xF7A, s2;
	p2 =	seq.s32 @!p0 s5, $0x0  }
0x1f: {  	s9 =	smul.u32 $0xF7A, s1;
	s8 =	simm.s32 @!p0 $0x1BF5;
	p2 =	por !p2, p0  }
0x20: {  	[sflag:s8] =	ssyncset.s32 @!p0 $0xFFFFF086;
	s6 =	sadd.s32 @!p0 s3, s7;
	s7 =	simm.s32 @!p0 $0x108  }
0x21: {  	s3 =	sadd.s32 s3, s9;
	s6 =	sadd.s32 @!p0 $0x88, s6;
	s7 =	simm.s32 @p2 $0x1082  }
0x22: {  	[simem:s7], [sflag:s8] =	dma.local @!p0 [hbm:s6], $0xF7A  }
0x23: {  	s9 =	sor.u32 $0xD0000000, s2;
	s6 =	simm.s32 $0x108;
	_ =	swait.ge @!p0 [sflag:s8], $0x0  }
0x24: {  	s3 =	sadd.s32 $0x88, s3;
	s6 =	simm.s32 @!p1 $0x1082;
	[sflag:s4] =	ssyncset.s32 $0xFFFFF086  }
0x25: {  	[simem:s6], [sflag:s4] =	dma.local [hbm:s3], $0xF7A  }
0x26: {  	[smem:$0x3F8E] =	sst s1;
	(tag) =	ssettag s2;
	_ =	strace s9  }
0x27: {  	s1 =	sld [smem:$0x3F9E]  }
0x28: {  	s2 =	sld [smem:$0x3F9F]  }
0x29: {  	s4 =	sld [smem:$0x3FA1]  }
0x2a: {  	p0 =	seq.s32 s5, $0x0;
	s5 =	sld [smem:$0x3FA2]  }
0x2b: {  	s6 =	sld [smem:$0x3FA3]  }
0x2c: {  	s7 =	sld [smem:$0x3FA4]  }
0x2d: {  	s3 =	simm.s32 $0x108;
	s8 =	sld [smem:$0x3FA5]  }
0x2e: {  	s3 =	simm.s32 @!p0 $0x1082;
	s9 =	sld [smem:$0x3FA6]  }
0x2f: {  	lr =	sadd.s32 s0, s3;
	s0 =	sld [smem:$0x3F9D]  }
0x30: {  	s3 =	sld [smem:$0x3FA0]  }
0x31: {  	[smem:$0x3FA9] =	sst s10  }
0x32: {  	s10 =	sld [smem:$0x3FA7];
	_ =	sdelay $0x3  }
0x33: {  	p0 =	seq.s32 s10, $0x1;
	s10 =	sld [smem:$0x3FA9];
	_ =	sdelay $0x3  }
0x34: {  	[smem:$0x3FA9] =	sst s10  }
0x35: {  	s10 =	sld [smem:$0x3FA8];
	_ =	sdelay $0x3  }
0x36: {  	p1 =	seq.s32 s10, $0x1;
	s10 =	sld [smem:$0x3FA9];
	_ =	sdelay $0x3  }
0x37: {  	[smem:$0x3FA9] =	sst s10  }
0x38: {  	s10 =	sld [smem:$0x3FAA]  }
0x39: {  	_ = 	snop;
	(pc) =	sbr.ind lr, $3  }
0x3a: {  	_ = 	snop  }
0x3b: {  	_ = 	snop  }
0x3c: {  	p2 =	seq.s32 s10, $0x1;
	s10 =	sld [smem:$0x3FA9]  }
0x3d: {  	_ =	shalt  }
0x3e: {  	_ =	shalt  }
0x3f: {  	_ =	shalt  }
0x40: {  	_ =	shalt  }
0x41: {  	_ =	shalt  }
0x42: {  	_ =	shalt  }
0x43: {  	_ =	shalt  }
0x44: {  	_ =	shalt  }
0x45: {  	_ =	shalt  }
0x46: {  	_ =	shalt  }
0x47: {  	_ =	shalt  }
0x48: {  	_ =	shalt  }
0x49: {  	_ =	shalt  }
0x4a: {  	_ =	shalt  }
0x4b: {  	_ =	shalt  }
0x4c: {  	_ =	shalt  }
0x4d: {  	_ =	shalt  }
0x4e: {  	_ =	shalt  }
0x4f: {  	_ =	shalt  }
0x50: {  	_ =	shalt  }
0x51: {  	_ =	shalt  }
0x52: {  	_ =	shalt  }
0x53: {  	_ =	shalt  }
0x54: {  	_ =	shalt  }
0x55: {  	_ =	shalt  }
0x56: {  	_ =	shalt  }
0x57: {  	_ =	shalt  }
0x58: {  	_ =	shalt  }
0x59: {  	_ =	shalt  }
0x5a: {  	_ =	shalt  }
0x5b: {  	_ =	shalt  }
0x5c: {  	_ =	shalt  }
0x5d: {  	_ =	shalt  }
0x5e: {  	_ =	shalt  }
0x5f: {  	_ =	shalt  }
0x60: {  	_ =	shalt  }
0x61: {  	_ =	shalt  }
0x62: {  	_ =	shalt  }
0x63: {  	_ =	shalt  }
0x64: {  	_ =	shalt  }
0x65: {  	_ =	shalt  }
0x66: {  	_ =	shalt  }
0x67: {  	_ =	shalt  }
0x68: {  	_ =	shalt  }
0x69: {  	_ =	shalt  }
0x6a: {  	_ =	shalt  }
0x6b: {  	_ =	shalt  }
0x6c: {  	_ =	shalt  }
0x6d: {  	_ =	shalt  }
0x6e: {  	_ =	shalt  }
0x6f: {  	_ =	shalt  }
0x70: {  	_ =	shalt  }
0x71: {  	_ =	shalt  }
0x72: {  	_ =	shalt  }
0x73: {  	_ =	shalt  }
0x74: {  	_ =	shalt  }
0x75: {  	_ =	shalt  }
0x76: {  	_ =	shalt  }
0x77: {  	_ =	shalt  }
0x78: {  	_ =	shalt  }
0x79: {  	_ =	shalt  }
0x7a: {  	_ =	shalt  }
0x7b: {  	_ =	shalt  }
0x7c: {  	_ =	shalt  }
0x7d: {  	_ =	shalt  }
0x7e: {  	_ =	shalt  }
0x7f: {  	_ =	shalt  }
0x80: {  	_ =	shalt  }
0x81: {  	_ =	shalt  }
0x82: {  	_ =	shalt  }
0x83: {  	_ =	shalt  }
0x84: {  	_ =	shalt  }
0x85: {  	_ =	shalt  }
0x86: {  	_ =	shalt  }
0x87: {  	_ =	shalt  }
.Lfunc_end0:
.L_simem_size_0:
called_computation.4_lowered:
.L_overlay_start_0:
0x88: {  	s0 =	sld [smem:$0x3FD9]  }
0x89: {  	s1 =	sld [smem:$0x3FFE];
	_ =	sdelay $0x3  }
0x8a: {  	s0 =	sadd.s32 s1, s0  }
0x8b: {  	[smem:$0x3FB5] =	sst s0  }
0x8c: {  	_ = 	snop  }
0x8d: {  	s0 =	sld [smem:$0x3FD0];
	_ =	sdelay $0x2  }
0x8e: {  	s2 =	simm.s32 $0xB;
	s3 =	simm.s32 $0x10;
	s13 =	sld [smem:$0x3FC6]  }
0x8f: {  	[smem:s3], [sflag:s2] =	dma.local [hbm:s0], $0x1  }
0x90: {  	_ =	swait.eq [sflag:s2], $0x1  }
0x91: {  	[sflag:s2] =	ssyncset.done $0x0  }
0x92: {  	[sflag:s2] =	ssyncadd.s32 $0xFFFFFFFF  }
0x93: {  	s14 =	sld [smem:$0x10];
	(tm) =	ssettm $0x1  }
0x94: {  	s15 =	sld [smem:$0x3FFB];
	_ =	sdelay $0x3  }
0x95: {  	_ =	strace s15  }
0x96: {  	s2 =	sld [smem:$0x3FFC];
	_ =	sdelay $0x3  }
0x97: {  	_ =	strace s2  }
0x98: {  	s2 =	sld [smem:$0x3FFD];
	_ =	sdelay $0x3  }
0x99: {  	_ =	strace s2  }
0x9a: {  	_ =	strace $0x8FFFFFFF  }
0x9b: {  	s16 =	sld [smem:$0x3FDB];
	_ =	sdelay $0x1  }
0x9c: {  	s17 =	simm.s32 $_scs_section_size  }
0x9d: {  	s4 =	simm.s32 $_size__tile_overlayer_lowered;
	s5 =	simm.s32 $_tile_overlayer_lowered  }
0x9e: {  	s20 =	simm.s32 $0x1BFF;
	s19 =	sshll.u32 s5, $0x1;
	s2 =	sadd.s32 s17, s16  }
0x9f: {  	s6 =	simm.s32 $0x0;
	s18 =	sshll.u32 s4, $0x1;
	s4 =	sadd.s32 s19, s2  }
0xa0: {  	[timem:s6], [sflag:s20] =	dma.local [hbm:s4], s18  }
0xa1: {  	_ =	swait.ge [sflag:s20], s18  }
0xa2: {  	s3 =	ssub.s32 $0x0, s18;
	[sflag:s20] =	ssyncset.done $0x0  }
0xa3: {  	[sflag:s20] =	ssyncadd.s32 s3;
	_ =	sdelay $0x1  }
0xa4: {  	s21 =	simm.s32 $0x1B8B  }
0xa5: {  	_ =	swait.ge [sflag:s21], $0x1  }
0xa6: {  	[sflag:s21] =	ssyncset.done $0x0  }
0xa7: {  	s23 =	simm.s32 $0x1B8E;
	s22 =	sld [smem:$0x3FFE];
	[sflag:s21] =	ssyncadd.s32 $0xFFFFFFFF  }
0xa8: {  	s24 =	simm.s32 $execute0_lowered;
	[smem:$0x3FD2] =	sst s23  }
0xa9: {  	s4 =	sshll.u32 s24, $0x1;
	_ =	strace $0x8000004F;
	[dreg:$0x1] =	wrdreg $0xFFFFFFFF  }
0xaa: {  	s25 =	simm.s32 $_size_execute0_lowered;
	s2 =	sadd.s32 s2, s4;
	[dreg:$0x0] =	wrdreg $0x0  }
0xab: {  	s4 =	sshll.u32 s25, $0x1;
	[dreg:$0x2] =	wrdreg s2  }
0xac: {  	[dreg:$0x3] =	wrdreg s4  }
0xad: {  	[dreg:$0x4] =	wrdreg $0xC0  }
0xae: {  	_ =	task [dreg:s6], $0x5FFFF  }
0xaf: {  	[dreg:$0x1] =	wrdreg $0xFFFFFFFF  }
0xb0: {  	[dreg:$0x0] =	wrdreg $0x60  }
0xb1: {  	[dreg:$0x2] =	wrdreg s13  }
0xb2: {  	[dreg:$0x3] =	wrdreg s14  }
0xb3: {  	[dreg:$0x4] =	wrdreg s22  }
0xb4: {  	[dreg:$0x5] =	wrdreg $0xA  }
0xb5: {  	_ =	task.clear_ibuf [dreg:s6], $0x6FFFF;
	_ =	strace $0x9000004F  }
0xb6: {  	s26 =	simm.s32 $0xA;
	_ =	strace $0x80000051  }
0xb7: {  	_ =	swait.ge [sflag:s26], $0x1  }
0xb8: {  	[sflag:s26] =	ssyncadd.s32 $0xFFFFFFFF  }
0xb9: {  	_ =	strace $0x90000051  }
0xba: {  	_ =	sfence  }
0xbb: {  	s28 =	sld [smem:$0x0];
	_ =	sdelay $0x1  }
0xbc: {  	s29 =	srdreg.scid  }
0xbd: {  	s30 =	sshll.u32 s29, $0xD;
	s31 =	sshrl.u32 s29, $0x2  }
0xbe: {  	s1 =	sand.u32 $0x1, s29;
	s2 =	sand.u32 $0x4000, s30;
	s0 =	sadd.s32 s31, s28  }
0xbf: {  	s1 =	sor.u32 s2, s1;
	s0 =	sshll.u32 s0, $0x11  }
0xc0: {  	s0 =	sor.u32 s0, s1  }
0xc1: {  	s0 =	sadd.s32 $0x8F2B, s0  }
0xc2: {  	[sflag:s0] =	ssyncadd.remote.s32 $0x1  }
0xc3: {  	_ =	sfence.sel $0xFFFF  }
0xc4: {  	[dreg:$0x0] =	wrdreg $0xFFFFFFFF;
	(pc) =	sbr.abs _section_cstart, $3  }
0xc5: {  	[dreg:$0x1] =	wrdreg $0xFFFFFFFF  }
0xc6: {  	_ =	task.clear_ibuf [dreg:s6], $0x2FFFF;
	_ =	strace $0x9FFFFFFF  }
0xc7: {  	(tm) =	ssettm $0x7FFFFFFF  }
tec
execute0_lowered:
.L_overlay_start_1:
0x0: {  	(tag) =	ssettag $0x1  }
0x1: {  	s2 =	rddreg [dreg:$0x0]  }
0x2: {  	s3 =	rddreg [dreg:$0x1]  }
0x3: {  	s8 =	rddreg [dreg:$0x2]  }
0x4: {  	s0 =	rddreg [dreg:$0x3];
	_ =	strace $0x80000050;
	s4 =	simm.s32 $0x1  }
0x5: {  	s1 =	stileid.u32;
	s7 =	simm.s32 $0x1;
	s9 =	simm.s32 $0x1  }
0x6: {  	s6 =	simm.s32 $0x2;
	s10 =	simm.s32 $0x3;
	s13 =	simm.s32 $0x0  }
.Ltmp0:
0x7: {  	s12 =	simm.s32 $0x0;
	p0 =	slt.u32 s1, $0xA;
	(pc) =	sbr.rel .LBB2_1-.Ltmp0, $4  }
0x8: {  	[sflag:s4] =	ssyncpa.u1 $0x0;
	s7 =	simm.s32 @!p0 $0x0;
	p0 =	sne.s32 s1, $0x9  }
0x9: {  	s5 =	smul.u32 $0x190, s1;
	[sflag:s6] =	ssyncpa.u1 $0x0;
	s9 =	simm.s32 @!p0 $0x0  }
0xa: {  	s8 =	sadd.s32 $0x200, s8;
	[sflag:s10] =	ssyncpa.u1 $0x0;
	s7 =	sadd.s32 s9, s7  }
0xb: {  	vm0 =	vmmov $0xffff;
	s10 =	simm.s32 $0x0;
	s11 =	smov.u32 s5;
	s9 =	sadd.s32 $0x1, s7  }
.LBB2_4:
0xc: {  	v2 =	vnsel vm1, $0x0, v2  }
0xd: {  	vm1 =	vgt.s32 v0, $0x0;
	v2 =	vmin.u32 v2, $0x270F  }
0xe: {  	v0 =	vnsel vm1, $0x0, v0  }
0xf: {  	v0 =	vmin.u32 v0, $0x270F  }
0x10: {  	[tilespmem:s18], [sflag:$0x1] =	stream.indirect_vreg.gather [hbm4b:s2+s10], $0x1, v1, vm0, $0x4038;
	[tilespmem:$0x640] =	vst v63  }
0x11: {  	(ifvalue) =	ssetifvalue $0x7FFFFFFF  }
0x12: {  	[tilespmem:s15], [sflag:$0x1] =	stream.indirect_vreg.gather [hbm4b:s2+s10], $0x1, v2, vm0, $0x4038;
	[tilespmem:$0x640] =	vst v63  }
0x13: {  	s29 =	sadd.s32 $0x10, s15;
	(ifvalue) =	ssetifvalue $0x7FFFFFFF  }
0x14: {  	[tilespmem:s29], [sflag:$0x1] =	stream.indirect_vreg.gather [hbm4b:s2+s10], $0x1, v0, vm0, $0x4038;
	[tilespmem:$0x640] =	vst v63  }
0x15: {  	_ =	swait.ge [sflag:s4], $0x190  }
0x16: {  	s30 =	sshrl.u32 s13, $0x3;
	[sflag:s4] =	ssyncset.done $0x0  }
0x17: {  	s31 =	sand.u32 $0x7, s13;
	s15 =	sadd.s32 s8, s30;
	[sflag:s4] =	ssyncadd.s32 $0xFFFFFE70  }
0x18: {  	[hbm4b:s15+s31] =	stream.linear.scatter [tilespmem:s14], [sflag:$0x3], $0x190, $0x38;
	[tilespmem:$0x640] =	vst v63  }
.LBB2_5:
0x19: {  	s15 =	sadd.s32 $0x1900, s11  }
0x1a: {  	p1 =	sgt.s32 s15, $0x270F  }
0x1b: {  	s15 =	smov.u32 @p1 s5;
	p1 =	sne.s32 s12, s9  }
.Ltmp1:
0x1c: {  	p0 =	slt.u32 s12, $0x2;
	(pc) =	sbr.rel @!p1 .LBB2_6-.Ltmp1, $4  }
0x1d: {  	s14 =	simm.s32 @!p0 $0x3  }
0x1e: {  	_ =	swait.ge @!p0 [sflag:s14], $0x190  }
0x1f: {  	s16 =	sadd.s32 $0x1, s12;
	s13 =	smov.u32 s11;
	[sflag:s14] =	ssyncset.done @!p0 $0x0  }
0x20: {  	s12 =	smov.u32 s16;
	s11 =	smov.u32 s15;
	[sflag:s14] =	ssyncadd.s32 @!p0 $0xFFFFFE70  }
.LBB2_1:
0x21: {  	p0 =	sge.u32 s12, s7  }
0x22: {  	s14 =	sxor.u32 @!p0 $0x1, s12  }
0x23: {  	s14 =	smul.u32 @!p0 $0x640, s14  }
0x24: {  	s31 =	sadd.s32 $0xFFFFFFFF, s12;
	s15 =	sshrl.u32 @!p0 s11, $0x3  }
0x25: {  	s16 =	sand.u32 @!p0 $0x7, s11;
	s15 =	sadd.s32 @!p0 s3, s15;
	s14 =	sshra.s32 @!p0 s14, $0x2  }
0x26: {  	[tilespmem:s14], [sflag:$0x2] =	stream.linear.gather @!p0 [hbm4b:s15+s16], $0x190, $0x38;
	[tilespmem:$0x640] =	vst v63  }
0x27: {  	p0 =	sge.u32 s31, s7  }
.Ltmp2:
0x28: {  	_ = 	snop;
	(pc) =	sbr.rel @p0 .LBB2_5-.Ltmp2, $1  }
0x29: {  	_ =	sdelay $0x3  }
0x2a: {  	s14 =	sand.u32 $0x1, s12  }
0x2b: {  	_ =	swait.ge [sflag:s6], $0x190;
	p0 =	seq.s32 s14, $0x1;
	s14 =	simm.s32 $0x190  }
0x2c: {  	[sflag:s6] =	ssyncset.done $0x0;
	s14 =	simm.s32 @!p0 $0x0  }
0x2d: {  	[sflag:s6] =	ssyncadd.s32 $0xFFFFFE70;
	(ifvalue) =	ssetifvalue $0x7FFFFFFF;
	v0 =	vld.msk [tilespmem:s14+$0x0 ss:$0x1], $0xffff;
	_ =	sdelay $0x4  }
0x2e: {  	s15 =	sadd.s32 $0x10, s14;
	vm1 =	vgt.s32 v0, $0x0  }
0x2f: {  	v2 =	vld.msk [tilespmem:s15+$0x0 ss:$0x1], $0xffff;
	v1 =	vnsel vm1, $0x0, v0  }
0x30: {  	v1 =	vmin.u32 v1, $0x270F;
	_ =	sdelay $0x2  }
0x31: {  	s17 =	simm.s32 $0x20;
	s14 =	sadd.s32 $0x320, s14;
	s16 =	sadd.s32 $0x10, s15  }
0x32: {  	s15 =	sadd.s32 $0x10, s14;
	s18 =	smov.u32 s14;
	v0 =	vld.msk [tilespmem:s16+$0x0 ss:$0x1], $0xffff;
	vm1 =	vgt.s32 v2, $0x0;
	(ifvalue) =	ssetifvalue $0x7FFFFFFF  }
.LBB2_3:
0x33: {  	[tilespmem:s18], [sflag:$0x1] =	stream.indirect_vreg.gather [hbm4b:s2+s10], $0x1, v1, vm0, $0x4038;
	[tilespmem:$0x640] =	vst v63  }
0x34: {  	s17 =	sadd.s32 $0x10, s17  }
0x35: {  	v2 =	vnsel vm1, $0x0, v2;
	p0 =	slt.u32 s17, $0x180  }
.Ltmp3:
0x36: {  	s18 =	smov.u32 s15;
	v1 =	vmin.u32 v2, $0x270F;
	(pc) =	sbr.rel @p0 .LBB2_3-.Ltmp3, $3  }
0x37: {  	_ =	sdelay $0x1  }
0x38: {  	s16 =	sadd.s32 $0x10, s16  }
0x39: {  	vm1 =	vgt.s32 v0, $0x0;
	s15 =	sadd.s32 $0x10, s15;
	v2 =	vmov v0;
	(ifvalue) =	ssetifvalue $0x7FFFFFFF;
	v0 =	vld.msk [tilespmem:s16+$0x0 ss:$0x1], $0xffff  }
.Ltmp4:
0x3a: {  	_ = 	snop;
	(pc) =	sbr.rel .LBB2_4-.Ltmp4, $1  }
0x3b: {  	_ =	sdelay $0x3  }
.LBB2_6:
0x3c: {  	_ =	sfence.sel $0x180000  }
0x3d: {  	s2 =	simm.s32 $0x2;
	[bflag:$0x0] =	sbarrier.arrive $0xFFFF  }
0x3e: {  	s30 =	simm.s32 $0x3;
	[sflag:s2] =	ssyncpa.u1 $0x1  }
0x3f: {  	s31 =	simm.s32 $0x1;
	[sflag:s30] =	ssyncpa.u1 $0x1  }
0x40: {  	[sflag:s31] =	ssyncpa.u1 $0x1  }
0x41: {  	p0 =	sne.s32 s1, $0x0;
	_ =	strace $0x90000050  }
0x42: {  	s0 =	sadd.s32 @!p0 $0x100000, s0;
	[bflag:$0x2] =	sbarrier.arrive $0xFFFF  }
0x43: {  	[sflag:s0] =	ssyncadd.tile.s32 @!p0 $0x1;
	_ =	shalt  }
.Lfunc_end2:
_tile_overlayer_lowered:
.L_overlay_start_2:
0x44: {  	(tag) =	ssettag $0x2  }
0x45: {  	s0 =	rddreg [dreg:$0x0];
	s2 =	stileid.u32  }
0x46: {  	s1 =	rddreg [dreg:$0x1];
	p0 =	sne.s32 s2, $0x0  }
0x47: {  	s3 =	rddreg [dreg:$0x2];
	[bflag:$0x3] =	sbarrier.arrive $0xFFFF;
	s2 =	simm.s32 @!p0 $0x1C01  }
0x48: {  	[timem:s3], [sflag:s2] =	dma.local @!p0 [hbm:s0], s1  }
0x49: {  	s0 =	simm.s32 @!p0 $0x1  }
0x4a: {  	_ =	swait.ge @!p0 [sflag:s0], s1  }
0x4b: {  	s1 =	ssub.s32 @!p0 $0x0, s1;
	[sflag:s0] =	ssyncset.done @!p0 $0x0  }
0x4c: {  	[sflag:s0] =	ssyncadd.s32 @!p0 s1  }
0x4d: {  	[bflag:$0x3] =	sbarrier.arrive $0xFFFF  }
0x4e: {  	_ =	shalt  }

// kernel: gather_offload_async_start
scs
__scs_entry_jumppad:
0x0: {  	(pc) =	sbr.rel $0x88, $3  }
0x1: {  	(tag) =	ssettag $0x0;
	lr =	simm.s32 $0x1  }
0x2: {  	[smem:$0x3F8E] =	sst lr;
	_ =	strace $0xD0000000  }
0x3: {  	_ = 	snop  }
0x4: {  	_ = 	snop  }
0x5: {  	_ = 	snop  }
0x6: {  	_ = 	snop  }
0x7: {  	_ = 	snop  }
__scs_overlays_trampoline_lowered:
0x8: {  	[smem:$0x3F9D] =	sst s0  }
0x9: {  	[smem:$0x3F9E] =	sst s1  }
0xa: {  	[smem:$0x3F9F] =	sst s2  }
0xb: {  	[smem:$0x3FA0] =	sst s3  }
0xc: {  	[smem:$0x3FA1] =	sst s4  }
0xd: {  	[smem:$0x3FA2] =	sst s5  }
0xe: {  	[smem:$0x3FA3] =	sst s6  }
0xf: {  	[smem:$0x3FA4] =	sst s7  }
0x10: {  	[smem:$0x3FA5] =	sst s8  }
0x11: {  	[smem:$0x3FA6] =	sst s9;
	s0 =	simm.s32 @!p0 $0x0  }
0x12: {  	s1 =	sld [smem:$0x3F8C];
	s0 =	simm.s32 @p0 $0x1  }
0x13: {  	[smem:$0x3FA7] =	sst s0;
	s0 =	simm.s32 @!p1 $0x0  }
0x14: {  	s2 =	sld [smem:$0x3F8B];
	s0 =	simm.s32 @p1 $0x1  }
0x15: {  	[smem:$0x3FA8] =	sst s0;
	s0 =	simm.s32 @!p2 $0x0  }
0x16: {  	s3 =	sld [smem:$0x3FDB];
	s0 =	simm.s32 @p2 $0x1  }
0x17: {  	s4 =	simm.s32 $0x1BF5;
	[smem:$0x3FAA] =	sst s0  }
0x18: {  	s0 =	sld [smem:$0x3F8D];
	_ =	swait.ge [sflag:s4], $0x0  }
0x19: {  	s7 =	sld [smem:$0x3F8E]  }
0x1a: {  	s8 =	sadd.s32 $0xFFFFE003, lr  }
0x1b: {  	s9 =	sadd.s32 $0xFFFFFEF7, lr;
	s5 =	simm.s32 $0xFFFFFFFF;
	p2 =	slt.u32 s8, $0xFFFFF086  }
0x1c: {  	p1 =	slt.u32 s9, $0xF7A;
	s5 =	simm.s32 @!p2 $0x0  }
0x1d: {  	s5 =	simm.s32 @p1 $0x1;
	p0 =	seq.s32 s7, s2  }
0x1e: {  	s7 =	smul.u32 @!p0 $0xF7A, s2;
	p2 =	seq.s32 @!p0 s5, $0x0  }
0x1f: {  	s9 =	smul.u32 $0xF7A, s1;
	s8 =	simm.s32 @!p0 $0x1BF5;
	p2 =	por !p2, p0  }
0x20: {  	[sflag:s8] =	ssyncset.s32 @!p0 $0xFFFFF086;
	s6 =	sadd.s32 @!p0 s3, s7;
	s7 =	simm.s32 @!p0 $0x108  }
0x21: {  	s3 =	sadd.s32 s3, s9;
	s6 =	sadd.s32 @!p0 $0x88, s6;
	s7 =	simm.s32 @p2 $0x1082  }
0x22: {  	[simem:s7], [sflag:s8] =	dma.local @!p0 [hbm:s6], $0xF7A  }
0x23: {  	s9 =	sor.u32 $0xD0000000, s2;
	s6 =	simm.s32 $0x108;
	_ =	swait.ge @!p0 [sflag:s8], $0x0  }
0x24: {  	s3 =	sadd.s32 $0x88, s3;
	s6 =	simm.s32 @!p1 $0x1082;
	[sflag:s4] =	ssyncset.s32 $0xFFFFF086  }
0x25: {  	[simem:s6], [sflag:s4] =	dma.local [hbm:s3], $0xF7A  }
0x26: {  	[smem:$0x3F8E] =	sst s1;
	(tag) =	ssettag s2;
	_ =	strace s9  }
0x27: {  	s1 =	sld [smem:$0x3F9E]  }
0x28: {  	s2 =	sld [smem:$0x3F9F]  }
0x29: {  	s4 =	sld [smem:$0x3FA1]  }
0x2a: {  	p0 =	seq.s32 s5, $0x0;
	s5 =	sld [smem:$0x3FA2]  }
0x2b: {  	s6 =	sld [smem:$0x3FA3]  }
0x2c: {  	s7 =	sld [smem:$0x3FA4]  }
0x2d: {  	s3 =	simm.s32 $0x108;
	s8 =	sld [smem:$0x3FA5]  }
0x2e: {  	s3 =	simm.s32 @!p0 $0x1082;
	s9 =	sld [smem:$0x3FA6]  }
0x2f: {  	lr =	sadd.s32 s0, s3;
	s0 =	sld [smem:$0x3F9D]  }
0x30: {  	s3 =	sld [smem:$0x3FA0]  }
0x31: {  	[smem:$0x3FA9] =	sst s10  }
0x32: {  	s10 =	sld [smem:$0x3FA7];
	_ =	sdelay $0x3  }
0x33: {  	p0 =	seq.s32 s10, $0x1;
	s10 =	sld [smem:$0x3FA9];
	_ =	sdelay $0x3  }
0x34: {  	[smem:$0x3FA9] =	sst s10  }
0x35: {  	s10 =	sld [smem:$0x3FA8];
	_ =	sdelay $0x3  }
0x36: {  	p1 =	seq.s32 s10, $0x1;
	s10 =	sld [smem:$0x3FA9];
	_ =	sdelay $0x3  }
0x37: {  	[smem:$0x3FA9] =	sst s10  }
0x38: {  	s10 =	sld [smem:$0x3FAA]  }
0x39: {  	_ = 	snop;
	(pc) =	sbr.ind lr, $3  }
0x3a: {  	_ = 	snop  }
0x3b: {  	_ = 	snop  }
0x3c: {  	p2 =	seq.s32 s10, $0x1;
	s10 =	sld [smem:$0x3FA9]  }
0x3d: {  	_ =	shalt  }
0x3e: {  	_ =	shalt  }
0x3f: {  	_ =	shalt  }
0x40: {  	_ =	shalt  }
0x41: {  	_ =	shalt  }
0x42: {  	_ =	shalt  }
0x43: {  	_ =	shalt  }
0x44: {  	_ =	shalt  }
0x45: {  	_ =	shalt  }
0x46: {  	_ =	shalt  }
0x47: {  	_ =	shalt  }
0x48: {  	_ =	shalt  }
0x49: {  	_ =	shalt  }
0x4a: {  	_ =	shalt  }
0x4b: {  	_ =	shalt  }
0x4c: {  	_ =	shalt  }
0x4d: {  	_ =	shalt  }
0x4e: {  	_ =	shalt  }
0x4f: {  	_ =	shalt  }
0x50: {  	_ =	shalt  }
0x51: {  	_ =	shalt  }
0x52: {  	_ =	shalt  }
0x53: {  	_ =	shalt  }
0x54: {  	_ =	shalt  }
0x55: {  	_ =	shalt  }
0x56: {  	_ =	shalt  }
0x57: {  	_ =	shalt  }
0x58: {  	_ =	shalt  }
0x59: {  	_ =	shalt  }
0x5a: {  	_ =	shalt  }
0x5b: {  	_ =	shalt  }
0x5c: {  	_ =	shalt  }
0x5d: {  	_ =	shalt  }
0x5e: {  	_ =	shalt  }
0x5f: {  	_ =	shalt  }
0x60: {  	_ =	shalt  }
0x61: {  	_ =	shalt  }
0x62: {  	_ =	shalt  }
0x63: {  	_ =	shalt  }
0x64: {  	_ =	shalt  }
0x65: {  	_ =	shalt  }
0x66: {  	_ =	shalt  }
0x67: {  	_ =	shalt  }
0x68: {  	_ =	shalt  }
0x69: {  	_ =	shalt  }
0x6a: {  	_ =	shalt  }
0x6b: {  	_ =	shalt  }
0x6c: {  	_ =	shalt  }
0x6d: {  	_ =	shalt  }
0x6e: {  	_ =	shalt  }
0x6f: {  	_ =	shalt  }
0x70: {  	_ =	shalt  }
0x71: {  	_ =	shalt  }
0x72: {  	_ =	shalt  }
0x73: {  	_ =	shalt  }
0x74: {  	_ =	shalt  }
0x75: {  	_ =	shalt  }
0x76: {  	_ =	shalt  }
0x77: {  	_ =	shalt  }
0x78: {  	_ =	shalt  }
0x79: {  	_ =	shalt  }
0x7a: {  	_ =	shalt  }
0x7b: {  	_ =	shalt  }
0x7c: {  	_ =	shalt  }
0x7d: {  	_ =	shalt  }
0x7e: {  	_ =	shalt  }
0x7f: {  	_ =	shalt  }
0x80: {  	_ =	shalt  }
0x81: {  	_ =	shalt  }
0x82: {  	_ =	shalt  }
0x83: {  	_ =	shalt  }
0x84: {  	_ =	shalt  }
0x85: {  	_ =	shalt  }
0x86: {  	_ =	shalt  }
0x87: {  	_ =	shalt  }
.Lfunc_end0:
.L_simem_size_0:
called_computation.3_lowered:
.L_overlay_start_0:
0x88: {  	s0 =	sld [smem:$0x3FD9]  }
0x89: {  	s1 =	sld [smem:$0x3FFE];
	_ =	sdelay $0x3  }
0x8a: {  	s0 =	sadd.s32 s1, s0  }
0x8b: {  	[smem:$0x3FB5] =	sst s0  }
0x8c: {  	_ = 	snop  }
0x8d: {  	s0 =	sld [smem:$0x3FD0];
	_ =	sdelay $0x2  }
0x8e: {  	s13 =	simm.s32 $0xB;
	s2 =	simm.s32 $0x10  }
0x8f: {  	[smem:s2], [sflag:s13] =	dma.local [hbm:s0], $0x1  }
0x90: {  	_ =	swait.eq [sflag:s13], $0x1  }
0x91: {  	[sflag:s13] =	ssyncset.done $0x0  }
0x92: {  	[sflag:s13] =	ssyncadd.s32 $0xFFFFFFFF  }
0x93: {  	s14 =	sld [smem:$0x10];
	(tm) =	ssettm $0x1  }
0x94: {  	s15 =	sld [smem:$0x3FFB];
	_ =	sdelay $0x3  }
0x95: {  	_ =	strace s15  }
0x96: {  	s1 =	sld [smem:$0x3FFC];
	_ =	sdelay $0x3  }
0x97: {  	_ =	strace s1  }
0x98: {  	s1 =	sld [smem:$0x3FFD];
	_ =	sdelay $0x3  }
0x99: {  	_ =	strace s1  }
0x9a: {  	_ =	strace $0x8FFFFFFF  }
0x9b: {  	s16 =	sld [smem:$0x3FDB];
	_ =	sdelay $0x1  }
0x9c: {  	s17 =	simm.s32 $_scs_section_size  }
0x9d: {  	s3 =	simm.s32 $_size__tile_overlayer_lowered;
	s4 =	simm.s32 $_tile_overlayer_lowered  }
0x9e: {  	s20 =	simm.s32 $0x1BFF;
	s19 =	sshll.u32 s4, $0x1;
	s1 =	sadd.s32 s17, s16  }
0x9f: {  	s5 =	simm.s32 $0x0;
	s18 =	sshll.u32 s3, $0x1;
	s3 =	sadd.s32 s19, s1  }
0xa0: {  	[timem:s5], [sflag:s20] =	dma.local [hbm:s3], s18  }
0xa1: {  	_ =	swait.ge [sflag:s20], s18  }
0xa2: {  	s2 =	ssub.s32 $0x0, s18;
	[sflag:s20] =	ssyncset.done $0x0  }
0xa3: {  	[sflag:s20] =	ssyncadd.s32 s2;
	_ =	sdelay $0x1  }
0xa4: {  	s21 =	simm.s32 $0x1B8B  }
0xa5: {  	_ =	swait.ge [sflag:s21], $0x1  }
0xa6: {  	[sflag:s21] =	ssyncset.done $0x0  }
0xa7: {  	s23 =	simm.s32 $0x1B8E;
	s22 =	sld [smem:$0x3FFE];
	[sflag:s21] =	ssyncadd.s32 $0xFFFFFFFF  }
0xa8: {  	s24 =	simm.s32 $execute0_lowered;
	[smem:$0x3FD2] =	sst s23  }
0xa9: {  	s3 =	sshll.u32 s24, $0x1;
	_ =	strace $0x80000052;
	[dreg:$0x1] =	wrdreg $0xFFFFFFFF  }
0xaa: {  	s25 =	simm.s32 $_size_execute0_lowered;
	s1 =	sadd.s32 s1, s3;
	[dreg:$0x0] =	wrdreg $0x0  }
0xab: {  	s3 =	sshll.u32 s25, $0x1;
	[dreg:$0x2] =	wrdreg s1  }
0xac: {  	[dreg:$0x3] =	wrdreg s3  }
0xad: {  	[dreg:$0x4] =	wrdreg $0xC0  }
0xae: {  	_ =	task [dreg:s5], $0x5FFFF  }
0xaf: {  	[dreg:$0x1] =	wrdreg $0xFFFFFFFF  }
0xb0: {  	[dreg:$0x0] =	wrdreg $0x60  }
0xb1: {  	[dreg:$0x2] =	wrdreg s22  }
0xb2: {  	[dreg:$0x3] =	wrdreg s14  }
0xb3: {  	[dreg:$0x4] =	wrdreg $0x9  }
0xb4: {  	_ =	task.clear_ibuf [dreg:s5], $0x5FFFF;
	_ =	strace $0x90000052  }
0xb5: {  	s26 =	simm.s32 $0x9;
	_ =	strace $0x80000054  }
0xb6: {  	_ =	swait.ge [sflag:s26], $0x1  }
0xb7: {  	[sflag:s26] =	ssyncadd.s32 $0xFFFFFFFF  }
0xb8: {  	_ =	strace $0x90000054  }
0xb9: {  	_ =	sfence  }
0xba: {  	s28 =	sld [smem:$0x0];
	_ =	sdelay $0x1  }
0xbb: {  	s29 =	srdreg.scid  }
0xbc: {  	s30 =	sshll.u32 s29, $0xD;
	s31 =	sshrl.u32 s29, $0x2  }
0xbd: {  	s2 =	sand.u32 $0x4000, s30;
	s1 =	sand.u32 $0x1, s29;
	s0 =	sadd.s32 s31, s28  }
0xbe: {  	s1 =	sor.u32 s2, s1;
	s0 =	sshll.u32 s0, $0x11  }
0xbf: {  	s0 =	sor.u32 s0, s1  }
0xc0: {  	s0 =	sadd.s32 $0x8F2B, s0  }
0xc1: {  	[sflag:s0] =	ssyncadd.remote.s32 $0x1  }
0xc2: {  	_ =	sfence.sel $0xFFFF  }
0xc3: {  	[dreg:$0x0] =	wrdreg $0xFFFFFFFF;
	(pc) =	sbr.abs _section_cstart, $3  }
0xc4: {  	[dreg:$0x1] =	wrdreg $0xFFFFFFFF  }
0xc5: {  	_ =	task.clear_ibuf [dreg:s5], $0x2FFFF;
	_ =	strace $0x9FFFFFFF  }
0xc6: {  	(tm) =	ssettm $0x7FFFFFFF  }
0xc7: {  	_ =	shalt  }
tec
execute0_lowered:
.L_overlay_start_1:
0x0: {  	(tag) =	ssettag $0x1  }
0x1: {  	s8 =	rddreg [dreg:$0x0]  }
0x2: {  	s2 =	rddreg [dreg:$0x1]  }
0x3: {  	s0 =	rddreg [dreg:$0x2]  }
0x4: {  	_ =	strace $0x80000053;
	s4 =	simm.s32 $0x1;
	s1 =	stileid.u32  }
0x5: {  	s7 =	simm.s32 $0x1;
	s9 =	simm.s32 $0x1;
	s6 =	simm.s32 $0x2  }
0x6: {  	s10 =	simm.s32 $0x3;
	s13 =	simm.s32 $0x0;
	s12 =	simm.s32 $0x0  }
.Ltmp0:
0x7: {  	s3 =	sadd.s32 $0x800, s8;
	p0 =	slt.u32 s1, $0xA;
	(pc) =	sbr.rel .LBB2_1-.Ltmp0, $4  }
0x8: {  	[sflag:s4] =	ssyncpa.u1 $0x0;
	s7 =	simm.s32 @!p0 $0x0;
	p0 =	sne.s32 s1, $0x9  }
0x9: {  	s5 =	smul.u32 $0x190, s1;
	[sflag:s6] =	ssyncpa.u1 $0x0;
	s9 =	simm.s32 @!p0 $0x0  }
0xa: {  	s8 =	sadd.s32 $0xE00, s8;
	[sflag:s10] =	ssyncpa.u1 $0x0;
	s7 =	sadd.s32 s9, s7  }
0xb: {  	vm0 =	vmmov $0xffff;
	s10 =	simm.s32 $0x0;
	s11 =	smov.u32 s5;
	s9 =	sadd.s32 $0x1, s7  }
.LBB2_4:
0xc: {  	v2 =	vnsel vm1, $0x0, v2  }
0xd: {  	vm1 =	vgt.s32 v0, $0x0;
	v2 =	vmin.u32 v2, $0x270F  }
0xe: {  	v0 =	vnsel vm1, $0x0, v0  }
0xf: {  	v0 =	vmin.u32 v0, $0x270F  }
0x10: {  	[tilespmem:s18], [sflag:$0x1] =	stream.indirect_vreg.gather [hbm4b:s3+s10], $0x1, v1, vm0, $0x4038;
	[tilespmem:$0x640] =	vst v63  }
0x11: {  	(ifvalue) =	ssetifvalue $0x7FFFFFFF  }
0x12: {  	[tilespmem:s15], [sflag:$0x1] =	stream.indirect_vreg.gather [hbm4b:s3+s10], $0x1, v2, vm0, $0x4038;
	[tilespmem:$0x640] =	vst v63  }
0x13: {  	s29 =	sadd.s32 $0x10, s15;
	(ifvalue) =	ssetifvalue $0x7FFFFFFF  }
0x14: {  	[tilespmem:s29], [sflag:$0x1] =	stream.indirect_vreg.gather [hbm4b:s3+s10], $0x1, v0, vm0, $0x4038;
	[tilespmem:$0x640] =	vst v63  }
0x15: {  	_ =	swait.ge [sflag:s4], $0x190  }
0x16: {  	s30 =	sshrl.u32 s13, $0x3;
	[sflag:s4] =	ssyncset.done $0x0  }
0x17: {  	s31 =	sand.u32 $0x7, s13;
	s15 =	sadd.s32 s8, s30;
	[sflag:s4] =	ssyncadd.s32 $0xFFFFFE70  }
0x18: {  	[hbm4b:s15+s31] =	stream.linear.scatter [tilespmem:s14], [sflag:$0x3], $0x190, $0x38;
	[tilespmem:$0x640] =	vst v63  }
.LBB2_5:
0x19: {  	s15 =	sadd.s32 $0x1900, s11  }
0x1a: {  	p1 =	sgt.s32 s15, $0x270F  }
0x1b: {  	s15 =	smov.u32 @p1 s5;
	p1 =	sne.s32 s12, s9  }
.Ltmp1:
0x1c: {  	p0 =	slt.u32 s12, $0x2;
	(pc) =	sbr.rel @!p1 .LBB2_6-.Ltmp1, $4  }
0x1d: {  	s14 =	simm.s32 @!p0 $0x3  }
0x1e: {  	_ =	swait.ge @!p0 [sflag:s14], $0x190  }
0x1f: {  	s16 =	sadd.s32 $0x1, s12;
	s13 =	smov.u32 s11;
	[sflag:s14] =	ssyncset.done @!p0 $0x0  }
0x20: {  	s12 =	smov.u32 s16;
	s11 =	smov.u32 s15;
	[sflag:s14] =	ssyncadd.s32 @!p0 $0xFFFFFE70  }
.LBB2_1:
0x21: {  	p0 =	sge.u32 s12, s7  }
0x22: {  	s14 =	sxor.u32 @!p0 $0x1, s12  }
0x23: {  	s14 =	smul.u32 @!p0 $0x640, s14  }
0x24: {  	s31 =	sadd.s32 $0xFFFFFFFF, s12;
	s15 =	sshrl.u32 @!p0 s11, $0x3  }
0x25: {  	s16 =	sand.u32 @!p0 $0x7, s11;
	s15 =	sadd.s32 @!p0 s2, s15;
	s14 =	sshra.s32 @!p0 s14, $0x2  }
0x26: {  	[tilespmem:s14], [sflag:$0x2] =	stream.linear.gather @!p0 [hbm4b:s15+s16], $0x190, $0x38;
	[tilespmem:$0x640] =	vst v63  }
0x27: {  	p0 =	sge.u32 s31, s7  }
.Ltmp2:
0x28: {  	_ = 	snop;
	(pc) =	sbr.rel @p0 .LBB2_5-.Ltmp2, $1  }
0x29: {  	_ =	sdelay $0x3  }
0x2a: {  	s14 =	sand.u32 $0x1, s12  }
0x2b: {  	_ =	swait.ge [sflag:s6], $0x190;
	p0 =	seq.s32 s14, $0x1;
	s14 =	simm.s32 $0x190  }
0x2c: {  	[sflag:s6] =	ssyncset.done $0x0;
	s14 =	simm.s32 @!p0 $0x0  }
0x2d: {  	[sflag:s6] =	ssyncadd.s32 $0xFFFFFE70;
	(ifvalue) =	ssetifvalue $0x7FFFFFFF;
	v0 =	vld.msk [tilespmem:s14+$0x0 ss:$0x1], $0xffff;
	_ =	sdelay $0x4  }
0x2e: {  	s15 =	sadd.s32 $0x10, s14;
	vm1 =	vgt.s32 v0, $0x0  }
0x2f: {  	v2 =	vld.msk [tilespmem:s15+$0x0 ss:$0x1], $0xffff;
	v1 =	vnsel vm1, $0x0, v0  }
0x30: {  	v1 =	vmin.u32 v1, $0x270F;
	_ =	sdelay $0x2  }
0x31: {  	s17 =	simm.s32 $0x20;
	s14 =	sadd.s32 $0x320, s14;
	s16 =	sadd.s32 $0x10, s15  }
0x32: {  	s15 =	sadd.s32 $0x10, s14;
	s18 =	smov.u32 s14;
	v0 =	vld.msk [tilespmem:s16+$0x0 ss:$0x1], $0xffff;
	vm1 =	vgt.s32 v2, $0x0;
	(ifvalue) =	ssetifvalue $0x7FFFFFFF  }
.LBB2_3:
0x33: {  	[tilespmem:s18], [sflag:$0x1] =	stream.indirect_vreg.gather [hbm4b:s3+s10], $0x1, v1, vm0, $0x4038;
	[tilespmem:$0x640] =	vst v63  }
0x34: {  	s17 =	sadd.s32 $0x10, s17  }
0x35: {  	v2 =	vnsel vm1, $0x0, v2;
	p0 =	slt.u32 s17, $0x180  }
.Ltmp3:
0x36: {  	s18 =	smov.u32 s15;
	v1 =	vmin.u32 v2, $0x270F;
	(pc) =	sbr.rel @p0 .LBB2_3-.Ltmp3, $3  }
0x37: {  	_ =	sdelay $0x1  }
0x38: {  	s16 =	sadd.s32 $0x10, s16  }
0x39: {  	vm1 =	vgt.s32 v0, $0x0;
	s15 =	sadd.s32 $0x10, s15;
	v2 =	vmov v0;
	(ifvalue) =	ssetifvalue $0x7FFFFFFF;
	v0 =	vld.msk [tilespmem:s16+$0x0 ss:$0x1], $0xffff  }
.Ltmp4:
0x3a: {  	_ = 	snop;
	(pc) =	sbr.rel .LBB2_4-.Ltmp4, $1  }
0x3b: {  	_ =	sdelay $0x3  }
.LBB2_6:
0x3c: {  	_ =	sfence.sel $0x180000  }
0x3d: {  	s2 =	simm.s32 $0x2;
	[bflag:$0x0] =	sbarrier.arrive $0xFFFF  }
0x3e: {  	s30 =	simm.s32 $0x3;
	[sflag:s2] =	ssyncpa.u1 $0x1  }
0x3f: {  	s31 =	simm.s32 $0x1;
	[sflag:s30] =	ssyncpa.u1 $0x1  }
0x40: {  	[sflag:s31] =	ssyncpa.u1 $0x1  }
0x41: {  	p0 =	sne.s32 s1, $0x0;
	_ =	strace $0x90000053  }
0x42: {  	s0 =	sadd.s32 @!p0 $0x100000, s0;
	[bflag:$0x2] =	sbarrier.arrive $0xFFFF  }
0x43: {  	[sflag:s0] =	ssyncadd.tile.s32 @!p0 $0x1;
	_ =	shalt  }
.Lfunc_end2:
_tile_overlayer_lowered:
.L_overlay_start_2:
0x44: {  	(tag) =	ssettag $0x2  }
0x45: {  	s0 =	rddreg [dreg:$0x0];
	s2 =	stileid.u32  }
0x46: {  	s1 =	rddreg [dreg:$0x1];
	p0 =	sne.s32 s2, $0x0  }
0x47: {  	s3 =	rddreg [dreg:$0x2];
	[bflag:$0x3] =	sbarrier.arrive $0xFFFF;
	s2 =	simm.s32 @!p0 $0x1C01  }
0x48: {  	[timem:s3], [sflag:s2] =	dma.local @!p0 [hbm:s0], s1  }
0x49: {  	s0 =	simm.s32 @!p0 $0x1  }
0x4a: {  	_ =	swait.ge @!p0 [sflag:s0], s1  }
0x4b: {  	s1 =	ssub.s32 @!p0 $0x0, s1;
	[sflag:s0] =	ssyncset.done @!p0 $0x0  }
0x4c: {  	[sflag:s0] =	ssyncadd.s32 @!p0 s1  }
0x4d: {  	[bflag:$0x3] =	sbarrier.arrive $0xFFFF  }
0x4e: {  	_ =	shalt  }

// kernel: scatter_offload_async_start.1
scs
__scs_entry_jumppad:
0x0: {  	(pc) =	sbr.rel $0x88, $3  }
0x1: {  	(tag) =	ssettag $0x0;
	lr =	simm.s32 $0x1  }
0x2: {  	[smem:$0x3F8E] =	sst lr;
	_ =	strace $0xD0000000  }
0x3: {  	_ = 	snop  }
0x4: {  	_ = 	snop  }
0x5: {  	_ = 	snop  }
0x6: {  	_ = 	snop  }
0x7: {  	_ = 	snop  }
__scs_overlays_trampoline_lowered:
0x8: {  	[smem:$0x3F9D] =	sst s0  }
0x9: {  	[smem:$0x3F9E] =	sst s1  }
0xa: {  	[smem:$0x3F9F] =	sst s2  }
0xb: {  	[smem:$0x3FA0] =	sst s3  }
0xc: {  	[smem:$0x3FA1] =	sst s4  }
0xd: {  	[smem:$0x3FA2] =	sst s5  }
0xe: {  	[smem:$0x3FA3] =	sst s6  }
0xf: {  	[smem:$0x3FA4] =	sst s7  }
0x10: {  	[smem:$0x3FA5] =	sst s8  }
0x11: {  	[smem:$0x3FA6] =	sst s9;
	s0 =	simm.s32 @!p0 $0x0  }
0x12: {  	s1 =	sld [smem:$0x3F8C];
	s0 =	simm.s32 @p0 $0x1  }
0x13: {  	[smem:$0x3FA7] =	sst s0;
	s0 =	simm.s32 @!p1 $0x0  }
0x14: {  	s2 =	sld [smem:$0x3F8B];
	s0 =	simm.s32 @p1 $0x1  }
0x15: {  	[smem:$0x3FA8] =	sst s0;
	s0 =	simm.s32 @!p2 $0x0  }
0x16: {  	s3 =	sld [smem:$0x3FDB];
	s0 =	simm.s32 @p2 $0x1  }
0x17: {  	s4 =	simm.s32 $0x1BF5;
	[smem:$0x3FAA] =	sst s0  }
0x18: {  	s0 =	sld [smem:$0x3F8D];
	_ =	swait.ge [sflag:s4], $0x0  }
0x19: {  	s7 =	sld [smem:$0x3F8E]  }
0x1a: {  	s8 =	sadd.s32 $0xFFFFE003, lr  }
0x1b: {  	s9 =	sadd.s32 $0xFFFFFEF7, lr;
	s5 =	simm.s32 $0xFFFFFFFF;
	p2 =	slt.u32 s8, $0xFFFFF086  }
0x1c: {  	p1 =	slt.u32 s9, $0xF7A;
	s5 =	simm.s32 @!p2 $0x0  }
0x1d: {  	s5 =	simm.s32 @p1 $0x1;
	p0 =	seq.s32 s7, s2  }
0x1e: {  	s7 =	smul.u32 @!p0 $0xF7A, s2;
	p2 =	seq.s32 @!p0 s5, $0x0  }
0x1f: {  	s9 =	smul.u32 $0xF7A, s1;
	s8 =	simm.s32 @!p0 $0x1BF5;
	p2 =	por !p2, p0  }
0x20: {  	[sflag:s8] =	ssyncset.s32 @!p0 $0xFFFFF086;
	s6 =	sadd.s32 @!p0 s3, s7;
	s7 =	simm.s32 @!p0 $0x108  }
0x21: {  	s3 =	sadd.s32 s3, s9;
	s6 =	sadd.s32 @!p0 $0x88, s6;
	s7 =	simm.s32 @p2 $0x1082  }
0x22: {  	[simem:s7], [sflag:s8] =	dma.local @!p0 [hbm:s6], $0xF7A  }
0x23: {  	s9 =	sor.u32 $0xD0000000, s2;
	s6 =	simm.s32 $0x108;
	_ =	swait.ge @!p0 [sflag:s8], $0x0  }
0x24: {  	s3 =	sadd.s32 $0x88, s3;
	s6 =	simm.s32 @!p1 $0x1082;
	[sflag:s4] =	ssyncset.s32 $0xFFFFF086  }
0x25: {  	[simem:s6], [sflag:s4] =	dma.local [hbm:s3], $0xF7A  }
0x26: {  	[smem:$0x3F8E] =	sst s1;
	(tag) =	ssettag s2;
	_ =	strace s9  }
0x27: {  	s1 =	sld [smem:$0x3F9E]  }
0x28: {  	s2 =	sld [smem:$0x3F9F]  }
0x29: {  	s4 =	sld [smem:$0x3FA1]  }
0x2a: {  	p0 =	seq.s32 s5, $0x0;
	s5 =	sld [smem:$0x3FA2]  }
0x2b: {  	s6 =	sld [smem:$0x3FA3]  }
0x2c: {  	s7 =	sld [smem:$0x3FA4]  }
0x2d: {  	s3 =	simm.s32 $0x108;
	s8 =	sld [smem:$0x3FA5]  }
0x2e: {  	s3 =	simm.s32 @!p0 $0x1082;
	s9 =	sld [smem:$0x3FA6]  }
0x2f: {  	lr =	sadd.s32 s0, s3;
	s0 =	sld [smem:$0x3F9D]  }
0x30: {  	s3 =	sld [smem:$0x3FA0]  }
0x31: {  	[smem:$0x3FA9] =	sst s10  }
0x32: {  	s10 =	sld [smem:$0x3FA7];
	_ =	sdelay $0x3  }
0x33: {  	p0 =	seq.s32 s10, $0x1;
	s10 =	sld [smem:$0x3FA9];
	_ =	sdelay $0x3  }
0x34: {  	[smem:$0x3FA9] =	sst s10  }
0x35: {  	s10 =	sld [smem:$0x3FA8];
	_ =	sdelay $0x3  }
0x36: {  	p1 =	seq.s32 s10, $0x1;
	s10 =	sld [smem:$0x3FA9];
	_ =	sdelay $0x3  }
0x37: {  	[smem:$0x3FA9] =	sst s10  }
0x38: {  	s10 =	sld [smem:$0x3FAA]  }
0x39: {  	_ = 	snop;
	(pc) =	sbr.ind lr, $3  }
0x3a: {  	_ = 	snop  }
0x3b: {  	_ = 	snop  }
0x3c: {  	p2 =	seq.s32 s10, $0x1;
	s10 =	sld [smem:$0x3FA9]  }
0x3d: {  	_ =	shalt  }
0x3e: {  	_ =	shalt  }
0x3f: {  	_ =	shalt  }
0x40: {  	_ =	shalt  }
0x41: {  	_ =	shalt  }
0x42: {  	_ =	shalt  }
0x43: {  	_ =	shalt  }
0x44: {  	_ =	shalt  }
0x45: {  	_ =	shalt  }
0x46: {  	_ =	shalt  }
0x47: {  	_ =	shalt  }
0x48: {  	_ =	shalt  }
0x49: {  	_ =	shalt  }
0x4a: {  	_ =	shalt  }
0x4b: {  	_ =	shalt  }
0x4c: {  	_ =	shalt  }
0x4d: {  	_ =	shalt  }
0x4e: {  	_ =	shalt  }
0x4f: {  	_ =	shalt  }
0x50: {  	_ =	shalt  }
0x51: {  	_ =	shalt  }
0x52: {  	_ =	shalt  }
0x53: {  	_ =	shalt  }
0x54: {  	_ =	shalt  }
0x55: {  	_ =	shalt  }
0x56: {  	_ =	shalt  }
0x57: {  	_ =	shalt  }
0x58: {  	_ =	shalt  }
0x59: {  	_ =	shalt  }
0x5a: {  	_ =	shalt  }
0x5b: {  	_ =	shalt  }
0x5c: {  	_ =	shalt  }
0x5d: {  	_ =	shalt  }
0x5e: {  	_ =	shalt  }
0x5f: {  	_ =	shalt  }
0x60: {  	_ =	shalt  }
0x61: {  	_ =	shalt  }
0x62: {  	_ =	shalt  }
0x63: {  	_ =	shalt  }
0x64: {  	_ =	shalt  }
0x65: {  	_ =	shalt  }
0x66: {  	_ =	shalt  }
0x67: {  	_ =	shalt  }
0x68: {  	_ =	shalt  }
0x69: {  	_ =	shalt  }
0x6a: {  	_ =	shalt  }
0x6b: {  	_ =	shalt  }
0x6c: {  	_ =	shalt  }
0x6d: {  	_ =	shalt  }
0x6e: {  	_ =	shalt  }
0x6f: {  	_ =	shalt  }
0x70: {  	_ =	shalt  }
0x71: {  	_ =	shalt  }
0x72: {  	_ =	shalt  }
0x73: {  	_ =	shalt  }
0x74: {  	_ =	shalt  }
0x75: {  	_ =	shalt  }
0x76: {  	_ =	shalt  }
0x77: {  	_ =	shalt  }
0x78: {  	_ =	shalt  }
0x79: {  	_ =	shalt  }
0x7a: {  	_ =	shalt  }
0x7b: {  	_ =	shalt  }
0x7c: {  	_ =	shalt  }
0x7d: {  	_ =	shalt  }
0x7e: {  	_ =	shalt  }
0x7f: {  	_ =	shalt  }
0x80: {  	_ =	shalt  }
0x81: {  	_ =	shalt  }
0x82: {  	_ =	shalt  }
0x83: {  	_ =	shalt  }
0x84: {  	_ =	shalt  }
0x85: {  	_ =	shalt  }
0x86: {  	_ =	shalt  }
0x87: {  	_ =	shalt  }
.Lfunc_end0:
.L_simem_size_0:
called_computation.1_lowered:
.L_overlay_start_0:
0x88: {  	s0 =	sld [smem:$0x3FD9]  }
0x89: {  	s1 =	sld [smem:$0x3FFE];
	_ =	sdelay $0x3  }
0x8a: {  	s0 =	sadd.s32 s1, s0  }
0x8b: {  	[smem:$0x3FB5] =	sst s0  }
0x8c: {  	_ = 	snop  }
0x8d: {  	(tm) =	ssettm $0x1  }
0x8e: {  	s15 =	sld [smem:$0x3FFB];
	_ =	sdelay $0x3  }
0x8f: {  	_ =	strace s15  }
0x90: {  	s0 =	sld [smem:$0x3FFC];
	_ =	sdelay $0x3  }
0x91: {  	_ =	strace s0  }
0x92: {  	s0 =	sld [smem:$0x3FFD];
	_ =	sdelay $0x3  }
0x93: {  	_ =	strace s0  }
0x94: {  	_ =	strace $0x8FFFFFFF  }
0x95: {  	s16 =	sld [smem:$0x3FDB];
	_ =	sdelay $0x1  }
0x96: {  	s17 =	simm.s32 $_scs_section_size  }
0x97: {  	s2 =	simm.s32 $_size__tile_overlayer_lowered;
	s3 =	simm.s32 $_tile_overlayer_lowered  }
0x98: {  	s20 =	simm.s32 $0x1BFF;
	s19 =	sshll.u32 s3, $0x1;
	s0 =	sadd.s32 s17, s16  }
0x99: {  	s4 =	simm.s32 $0x0;
	s18 =	sshll.u32 s2, $0x1;
	s2 =	sadd.s32 s19, s0  }
0x9a: {  	[timem:s4], [sflag:s20] =	dma.local [hbm:s2], s18  }
0x9b: {  	_ =	swait.ge [sflag:s20], s18  }
0x9c: {  	s1 =	ssub.s32 $0x0, s18;
	[sflag:s20] =	ssyncset.done $0x0  }
0x9d: {  	[sflag:s20] =	ssyncadd.s32 s1;
	_ =	sdelay $0x1  }
0x9e: {  	s21 =	simm.s32 $0x1B8B  }
0x9f: {  	_ =	swait.ge [sflag:s21], $0x1  }
0xa0: {  	[sflag:s21] =	ssyncset.done $0x0  }
0xa1: {  	s23 =	simm.s32 $0x1B8E;
	s22 =	sld [smem:$0x3FFE];
	[sflag:s21] =	ssyncadd.s32 $0xFFFFFFFF  }
0xa2: {  	s24 =	simm.s32 $execute0_lowered;
	[smem:$0x3FD2] =	sst s23  }
0xa3: {  	s2 =	sshll.u32 s24, $0x1;
	_ =	strace $0x8000004C;
	[dreg:$0x1] =	wrdreg $0xFFFFFFFF  }
0xa4: {  	s25 =	simm.s32 $_size_execute0_lowered;
	s0 =	sadd.s32 s0, s2;
	[dreg:$0x0] =	wrdreg $0x0  }
0xa5: {  	s2 =	sshll.u32 s25, $0x1;
	[dreg:$0x2] =	wrdreg s0  }
0xa6: {  	[dreg:$0x3] =	wrdreg s2  }
0xa7: {  	[dreg:$0x4] =	wrdreg $0xC0  }
0xa8: {  	_ =	task [dreg:s4], $0x5FFFF  }
0xa9: {  	[dreg:$0x1] =	wrdreg $0xFFFFFFFF  }
0xaa: {  	[dreg:$0x0] =	wrdreg $0x60  }
0xab: {  	[dreg:$0x2] =	wrdreg s22  }
0xac: {  	[dreg:$0x3] =	wrdreg $0x9  }
0xad: {  	_ =	task.clear_ibuf [dreg:s4], $0x4FFFF;
	_ =	strace $0x9000004C  }
0xae: {  	s26 =	simm.s32 $0x9;
	_ =	strace $0x8000004E  }
0xaf: {  	_ =	swait.ge [sflag:s26], $0x1  }
0xb0: {  	[sflag:s26] =	ssyncadd.s32 $0xFFFFFFFF  }
0xb1: {  	_ =	strace $0x9000004E  }
0xb2: {  	_ =	sfence  }
0xb3: {  	s28 =	sld [smem:$0x0];
	_ =	sdelay $0x1  }
0xb4: {  	s29 =	srdreg.scid  }
0xb5: {  	s30 =	sshll.u32 s29, $0xD;
	s31 =	sshrl.u32 s29, $0x2  }
0xb6: {  	s1 =	sand.u32 $0x1, s29;
	s2 =	sand.u32 $0x4000, s30;
	s0 =	sadd.s32 s31, s28  }
0xb7: {  	s1 =	sor.u32 s2, s1;
	s0 =	sshll.u32 s0, $0x11  }
0xb8: {  	s0 =	sor.u32 s0, s1  }
0xb9: {  	s0 =	sadd.s32 $0x8F2B, s0  }
0xba: {  	[sflag:s0] =	ssyncadd.remote.s32 $0x1  }
0xbb: {  	_ =	sfence.sel $0xFFFF  }
0xbc: {  	[dreg:$0x0] =	wrdreg $0xFFFFFFFF;
	(pc) =	sbr.abs _section_cstart, $3  }
0xbd: {  	[dreg:$0x1] =	wrdreg $0xFFFFFFFF  }
0xbe: {  	_ =	task.clear_ibuf [dreg:s4], $0x2FFFF;
	_ =	strace $0x9FFFFFFF  }
0xbf: {  	(tm) =	ssettm $0x7FFFFFFF  }
tec
execute0_lowered:
.L_overlay_start_1:
0x0: {  	(tag) =	ssettag $0x1  }
0x1: {  	s0 =	rddreg [dreg:$0x0]  }
0x2: {  	s6 =	stileid.u32;
	_ =	strace $0x8000004D;
	s2 =	simm.s32 $0x1  }
0x3: {  	v1 =	vimm.s32 $0xFFFFFFFF;
	s1 =	smin.u32 s6, $0x9;
	[sflag:s2] =	ssyncpa.u1 $0x0  }
0x4: {  	s1 =	sadd.s32 s6, s1;
	[tilespmem:$0x10] =	vst v1  }
0x5: {  	v0 =	vimm.f32 $0.0e+00;
	p0 =	slt.u32 s6, $0x9;
	[tilespmem:$0x20] =	vst v1;
	s3 =	smul.u32 $0x1A90, s1;
	s1 =	simm.s32 $0x3520  }
0x6: {  	[tilespmem:$0x30] =	vst v0;
	s1 =	simm.s32 @!p0 $0x1A90  }
0x7: {  	[tilespmem:$0x40] =	vst v0;
	s1 =	sadd.s32 s1, s3  }
0x8: {  	[tilespmem:$0x50] =	vst v0;
	s4 =	smin.u32 s1, $0x29810  }
0x9: {  	s7 =	simm.s32 $0x2;
	[tilespmem:$0x60] =	vst v1;
	s9 =	ssub.s32 s4, s3  }
0xa: {  	s8 =	simm.s32 $0x8;
	s31 =	simm.s32 $0x9;
	[tilespmem:$0x70] =	vst v1;
	p0 =	sgt.s32 s9, $0x0  }
0xb: {  	s16 =	simm.s32 $0x0;
	s17 =	simm.s32 $0xF0;
	[tilespmem:$0x80] =	vst v1;
	s9 =	simm.s32 @!p0 $0x0  }
0xc: {  	s18 =	simm.s32 $0xFFFFFFFF;
	s19 =	simm.s32 $0xFFFFCBE0;
	v1 =	vimm.s32 $0x0;
	[tilespmem:$0xB0] =	vst v0;
	s5 =	smulhi.u32 $0x134679AD, s9  }
0xd: {  	s20 =	simm.s32 $0xFFFFFFFE;
	s21 =	simm.s32 $0xF;
	s25 =	simm.s32 $0x0;
	[tilespmem:$0x90] =	vst v1  }
0xe: {  	[tilespmem:$0xA0] =	vst v1;
	[sflag:s7] =	ssyncpa.u1 $0x0;
	s7 =	simm.s32 $0x7;
	s10 =	sshrl.u32 s5, $0x9  }
0xf: {  	s24 =	simm.s32 $0x0;
	[sflag:s7] =	ssyncpa.u1 $0x0;
	s11 =	smul.u32 $0x1A90, s10  }
0x10: {  	s14 =	sshllo.u32 s6, $0x1;
	[sflag:s8] =	ssyncpa.u1 $0x0;
	s23 =	smov.u32 s3  }
.Ltmp0:
0x11: {  	s1 =	sadd.s32 $0xAB800, s0;
	p0 =	sne.s32 s9, s11;
	(pc) =	sbr.rel .LBB2_1-.Ltmp0, $4  }
0x12: {  	s5 =	sadd.s32 $0x200, s0;
	s0 =	sadd.s32 $0x5600, s0;
	s2 =	simm.s32 @!p0 $0x0  }
0x13: {  	[sflag:s31] =	ssyncpa.u1 $0x0;
	[dreg:$0x2] =	wrdreg s0;
	s9 =	sadd.s32 s2, s10  }
0x14: {  	vm0 =	vmmov $0xffff;
	v2 =	vlaneseq.u32;
	p0 =	por $0x0, $0x0;
	s10 =	sshll.u32 s6, $0x1;
	s11 =	sadd.s32 $0x1, s9  }
0x15: {  	vm1 =	vmxor vm1, vm1;
	vm2 =	vmmov $0x1;
	vm3 =	vcmask $0x3F3C;
	s12 =	sadd.s32 $0x2, s9;
	s13 =	sor.u32 $0x81, s10;
	s15 =	sor.u32 $0x80, s10  }
.LBB2_9:
0x16: {  	p1 =	slt.u32 s24, $0x3  }
0x17: {  	s0 =	simm.s32 @!p1 $0x2  }
0x18: {  	_ =	swait.ge @!p1 [sflag:s0], $0x1A90  }
0x19: {  	[sflag:s0] =	ssyncset.done @!p1 $0x0  }
0x1a: {  	[sflag:s0] =	ssyncadd.s32 @!p1 $0xFFFFE570;
	s0 =	simm.s32 @!p1 $0x9  }
0x1b: {  	_ =	swait.ge @!p1 [sflag:s0], $0x10  }
0x1c: {  	[sflag:s0] =	ssyncset.done @!p1 $0x0  }
0x1d: {  	[sflag:s0] =	ssyncadd.s32 @!p1 $0xFFFFFFF0;
	p1 =	sne.s32 s24, s12  }
.Ltmp1:
0x1e: {  	s2 =	sadd.s32 $0x1A90, s23;
	(pc) =	sbr.rel @!p1 .LBB2_10-.Ltmp1, $4  }
0x1f: {  	s6 =	smov.u32 s3;
	s31 =	sadd.s32 $0x1, s24;
	s17 =	sadd.s32 $0x1A90, s17  }
0x20: {  	s18 =	sadd.s32 $0x1, s18;
	s25 =	smov.u32 s23;
	p2 =	slt.s32 s2, s4  }
0x21: {  	p0 =	por !p0, !p0;
	s19 =	sadd.s32 $0x1A90, s19;
	s6 =	smov.u32 @p2 s2  }
0x22: {  	s20 =	sadd.s32 $0x1, s20;
	s23 =	smov.u32 s6;
	s24 =	smov.u32 s31  }
.LBB2_1:
0x23: {  	p1 =	sge.u32 s24, s9  }
0x24: {  	s0 =	smulhi.u32 @!p1 $0xAAAAAAAB, s24;
	_ =	sdelay $0x1  }
0x25: {  	s0 =	sshrl.u32 @!p1 s0, $0x1  }
0x26: {  	s0 =	smul.u32 @!p1 $0x3, s0;
	_ =	sdelay $0x1  }
0x27: {  	s0 =	ssub.s32 @!p1 s24, s0  }
0x28: {  	s0 =	smul.u32 @!p1 $0x6A40, s0;
	_ =	sdelay $0x1  }
0x29: {  	s2 =	sshrl.u32 @!p1 s23, $0x3;
	s0 =	sshrl.u32 @!p1 s0, $0x2  }
0x2a: {  	s22 =	sand.u32 @!p1 $0x7, s23;
	s2 =	sadd.s32 @!p1 s5, s2;
	s0 =	sadd.s32 @!p1 $0x100, s0  }
0x2b: {  	[tilespmem:s0], [sflag:$0x7] =	stream.linear.gather @!p1 [hbm4b:s2+s22], $0x1A90, $0x38;
	[tilespmem:$0xF030] =	vst v63  }
0x2c: {  	s0 =	sadd.s32 $0xFFFFFFFF, s24  }
0x2d: {  	p1 =	sge.u32 s0, s9  }
.Ltmp2:
0x2e: {  	_ = 	snop;
	(pc) =	sbr.rel @p1 .LBB2_5-.Ltmp2, $1  }
0x2f: {  	_ =	sdelay $0x3  }
0x30: {  	s2 =	smulhi.u32 $0xAAAAAAAB, s0;
	_ =	sdelay $0x1  }
0x31: {  	s2 =	sshrl.u32 s2, $0x1  }
0x32: {  	s2 =	smul.u32 $0x3, s2;
	_ =	sdelay $0x1  }
0x33: {  	s2 =	ssub.s32 s0, s2  }
0x34: {  	s2 =	smul.u32 $0x6A40, s2  }
0x35: {  	_ =	swait.ge [sflag:s7], $0x1A90  }
0x36: {  	[sflag:s7] =	ssyncset.done $0x0;
	s2 =	sshrl.u32 s2, $0x2  }
0x37: {  	[sflag:s7] =	ssyncadd.s32 $0xFFFFE570;
	(ifvalue) =	ssetifvalue $0xFFFFFFFF;
	v3 =	vld.msk [tilespmem:s2+$0x100 ss:$0x1], $0xffff;
	_ =	sdelay $0x2  }
0x38: {  	s30 =	smulhi.u32 $0xAAAAAAAB, s18;
	p1 =	sne.s32 s24, $0x1  }
0x39: {  	v4 =	vimm.s32 @!p1 $0x0  }
0x3a: {  	s2 =	sshrl.u32 s30, $0x1;
	v4 =	vperm.xlane @!p1 v3, v4  }
0x3b: {  	s22 =	sshll.u32 s24, $0x4;
	s2 =	smul.u32 $0xFFFEC140, s2;
	vm4 =	vlt.u32 v3, $0x61A8000  }
0x3c: {  	s22 =	sand.u32 $0x10, s22;
	v3 =	vnsel vm4, $0xFFFFFFFE, v3;
	vm4 =	vlt.u32 @!p1 v4, $0x61A8000  }
0x3d: {  	s2 =	sshra.s32 s2, $0x2;
	[tilespmem:s22+$0x60] =	vst v3;
	v3 =	vnsel @!p1 vm4, $0xFFFFFFFE, v4  }
0x3e: {  	s28 =	sadd.s32 s2, s17;
	[tilespmem:$0x80] =	vst @!p1 v3  }
0x3f: {  	v3 =	vld.msk [tilespmem:s28+$0x0 ss:$0x1], $0xffff;
	_ =	sdelay $0x4  }
0x40: {  	(xrf1) =	vunique.msk.u32 $0xffff, v3;
	_ =	sdelay $0xd  }
0x41: {  	v4 =	vimm.s32 $0xFFFFFFFF;
	v5, _, _ =	vpop (xrf1)  }
0x42: {  	vm5 =	vne.s32 v3, v4;
	vm4 =	veq.s32 v5, v2  }
0x43: {  	vm6 =	vlt.u32 v3, $0x61A8000;
	vm4 =	vmand vm5, vm4  }
0x44: {  	vm4 =	vmand vm6, vm4  }
0x45: {  	v4 =	vnsel vm4, $0xFFFFFFFF, v3  }
0x46: {  	s31 =	sand.u32 $0x1, s0  }
0x47: {  	s0 =	simm.s32 $0x1A90;
	p1 =	seq.s32 s31, $0x1  }
0x48: {  	s0 =	simm.s32 @!p1 $0x0  }
0x49: {  	s26 =	sadd.s32 $0x6B30, s0;
	(ifvalue) =	ssetifvalue $0xFFFFFFFF  }
0x4a: {  	v3 =	vperm.xlane v3, v1;
	[tilespmem:s26], [sflag:$0x8] =	stream.indirect_vreg.gather [hbm4b:s1+s16], $0x1, v4, vm0, $0x4038;
	v4 =	vnsel vm6, $0xFFFFFFFE, v4;
	[tilespmem:$0xF030] =	vst v63  }
0x4b: {  	s2 =	simm.s32 $0x0;
	s22 =	sadd.s32 $0xFFFFFFF0, s28;
	[tilespmem:s28+$0x0] =	vst v4  }
.LBB2_3:
0x4c: {  	v4 =	vld.msk [tilespmem:s22+$0x0 ss:$0x1], $0xffff;
	s2 =	sadd.s32 $0x10, s2;
	v5 =	vmov v3;
	s28 =	smov.u32 s22  }
0x4d: {  	p1 =	slt.u32 s2, $0x1A80;
	_ =	sdelay $0x4  }
0x4e: {  	v3 =	vperm.xlane v4, v1;
	(xrf1) =	vunique.msk.u32 $0xffff, v4;
	_ =	sdelay $0xd  }
0x4f: {  	v6, _, _ =	vpop (xrf1)  }
0x50: {  	vm5 =	vne.s32 v4, v5;
	vm4 =	veq.s32 v6, v2  }
0x51: {  	vm6 =	vlt.u32 v4, $0x61A8000;
	vm4 =	vmand vm5, vm4  }
0x52: {  	vm4 =	vmand vm6, vm4  }
0x53: {  	v4 =	vnsel vm4, $0xFFFFFFFF, v4  }
.Ltmp3:
0x54: {  	v5 =	vnsel vm6, $0xFFFFFFFE, v4;
	(pc) =	sbr.rel @p1 .LBB2_3-.Ltmp3, $3  }
0x55: {  	_ =	sdelay $0x1  }
0x56: {  	s22 =	sadd.s32 $0xFFFFFFF0, s22;
	s26 =	sadd.s32 $0xFFFFFFF0, s26;
	(ifvalue) =	ssetifvalue $0xFFFFFFFF  }
0x57: {  	[tilespmem:s26], [sflag:$0x8] =	stream.indirect_vreg.gather [hbm4b:s1+s16], $0x1, v4, vm0, $0x4038;
	[tilespmem:s28+$0x0] =	vst v5  }
0x58: {  	s2 =	sshrl.u32 s25, $0x3;
	s6 =	rddreg [dreg:$0x2]  }
0x59: {  	s0 =	sadd.s32 $0x85D0, s0;
	s2 =	sadd.s32 s6, s2  }
0x5a: {  	[tilespmem:s0], [sflag:$0x8] =	stream.linear.gather [hbm:s2], $0x1A90, $0x38;
	[tilespmem:$0xF030] =	vst v63  }
.LBB2_5:
0x5b: {  	p1 =	slt.u32 s24, $0x2  }
0x5c: {  	p2 =	sge.u32 @!p1 s24, s12  }
0x5d: {  	p1 =	por p1, p2  }
.Ltmp4:
0x5e: {  	_ = 	snop;
	(pc) =	sbr.rel @p1 .LBB2_9-.Ltmp4, $1  }
0x5f: {  	_ =	sdelay $0x3  }
0x60: {  	s0 =	sadd.s32 $0xFFFFFFFE, s24  }
0x61: {  	s2 =	smulhi.u32 $0xAAAAAAAB, s0;
	_ =	sdelay $0x1  }
0x62: {  	s2 =	sshrl.u32 s2, $0x1  }
0x63: {  	s2 =	smul.u32 $0x3, s2;
	_ =	sdelay $0x1  }
0x64: {  	s0 =	ssub.s32 s0, s2  }
0x65: {  	_ =	swait.ge [sflag:s8], $0x3520;
	s0 =	smul.u32 $0x1A90, s0  }
0x66: {  	p1 =	sne.s32 s24, s11;
	[sflag:s8] =	ssyncset.done $0x0  }
0x67: {  	[sflag:s8] =	ssyncadd.s32 $0xFFFFCAE0;
	s2 =	sadd.s32 @!p1 $0x1B8F, s0  }
0x68: {  	[spmem:s13] =	stream.linear.scatter @!p1 [tilespmem:s2], [sflag:$0x1], $0x1, $0x38;
	[tilespmem:$0xF030] =	vst v63  }
0x69: {  	s2 =	simm.s32 @!p1 $0x1  }
0x6a: {  	_ =	swait.ge @!p1 [sflag:s2], $0x1  }
0x6b: {  	s22 =	sshll.u32 s24, $0x4;
	[sflag:s2] =	ssyncset.done @!p1 $0x0  }
0x6c: {  	s25 =	sand.u32 $0x10, s22;
	[sflag:s2] =	ssyncadd.s32 @!p1 $0xFFFFFFFF  }
0x6d: {  	s2 =	sxor.u32 $0x10, s25;
	v4 =	vld [tilespmem:s25+$0x10]  }
0x6e: {  	v5 =	vld [tilespmem:s2+$0x60]  }
0x6f: {  	v3 =	vld [tilespmem:$0x80];
	_ =	sdelay $0x2  }
0x70: {  	(v2sf) =	vpush v4, $0x0  }
0x71: {  	(v2sf) =	vpush v5, $0x0  }
0x72: {  	(v2sf) =	vpush v3, $0x0;
	_ =	sdelay $0xc  }
0x73: {  	s6 =	spop (v2sf)  }
0x74: {  	s28 =	spop (v2sf)  }
0x75: {  	s26 =	spop (v2sf)  }
0x76: {  	p2 =	seq.s32 s6, s28;
	p3 =	seq.s32 s26, s6  }
0x77: {  	p3 =	por p2, p3  }
0x78: {  	s6 =	sand.u32 $0x1, s24;
	v4 =	vpsel p3, $0xFFFFFFFF, v4  }
0x79: {  	s28 =	smul.u32 $0x1A90, s6;
	[tilespmem:s25+$0x10] =	vst.msk $0x1, v4  }
0x7a: {  	v4 =	vld [tilespmem:$0x30]  }
0x7b: {  	v5 =	vld [tilespmem:s28+$0x85D0]  }
0x7c: {  	v6 =	vld [tilespmem:s25+$0x40];
	_ =	sdelay $0x3  }
0x7d: {  	vm4 =	vmmov vm1;
	v5 =	vadd.f32 v5, v4  }
0x7e: {  	vm5 =	vmmov vm2;
	vm4 =	vmmov @p2 vm2;
	v4 =	vadd.f32 v6, v4  }
0x7f: {  	s22 =	sshll.u32 s6, $0x4;
	vm5 =	vmmov @p3 vm1;
	[tilespmem:s28+$0x85D0] =	vst.msk vm4, v5  }
0x80: {  	[tilespmem:s22+$0xF010] =	vst.msk vm5, v4  }
0x81: {  	v4 =	vld [tilespmem:s28+$0x6B30];
	_ =	sdelay $0x3  }
0x82: {  	v5 =	vimm.f32 $0.0e+00  }
0x83: {  	v4 =	vshift.insert v4, v5, s21  }
0x84: {  	s29 =	sor.u32 $0x40, s2  }
0x85: {  	[tilespmem:s29+$0x0] =	vst.msk $0x1, v4  }
0x86: {  	[tilespmem:s28+$0x6B3F] =	vst.msk $0x1, v5  }
0x87: {  	v4 =	vld [tilespmem:s0+$0x1B80];
	_ =	sdelay $0x1  }
0x88: {  	s29 =	smulhi.u32 $0xAAAAAAAB, s20;
	s0 =	simm.s32 $0x1  }
0x89: {  	s0 =	simm.s32 @!p0 $0x0  }
0x8a: {  	s29 =	sshrl.u32 s29, $0x1;
	s0 =	smul.u32 $0x6A40, s0  }
0x8b: {  	s29 =	smul.u32 $0xFFFEC140, s29;
	v4 =	vshift.insert v4, v1, s21  }
0x8c: {  	s0 =	sshrl.u32 s0, $0x2  }
0x8d: {  	s29 =	sshra.s32 s29, $0x2;
	s30 =	sadd.s32 $0x85D0, s0;
	[tilespmem:s2+$0x10] =	vst.msk $0x1, v4  }
0x8e: {  	s6 =	sadd.s32 s29, s19;
	v6 =	vld [tilespmem:s30+$0x0]  }
0x8f: {  	v7 =	vld [tilespmem:s6+$0x0];
	_ =	sdelay $0x3  }
0x90: {  	v5 =	vadd.f32 v6, v5  }
0x91: {  	vm4 =	vne.s32 v7, $0xFFFFFFFF  }
0x92: {  	(xrf2) =	vadd.seg.scan.f32 vm4, v5;
	_ =	sdelay $0x3  }
0x93: {  	s31 =	sadd.s32 $0x50B0, s0;
	v5 =	vperm.xlane v4, v1  }
0x94: {  	v6 =	vld [tilespmem:s31+$0x0]  }
0x95: {  	vm5 =	veq.s32 v7, v3;
	vm6 =	veq.s32 v7, v5  }
0x96: {  	vm7 =	vgt.u32 v7, $0xFFFFFFFD;
	vm6 =	vmor vm6, vm5  }
0x97: {  	vm6 =	vmor vm6, vm7  }
0x98: {  	v9 =	vld [tilespmem:$0xA0];
	v7 =	vsel vm6, $0xFFFFFFFF, v7  }
0x99: {  	v10 =	vld [tilespmem:$0x90];
	v6 =	vsel vm5, $0x0, v6;
	v8, _, _ =	vpop (xrf2)  }
0x9a: {  	v6 =	vadd.f32 v8, v6  }
0x9b: {  	s0 =	sadd.s32 $0xBAF0, s0  }
0x9c: {  	vm4 =	vmand vm4, vm3;
	[tilespmem:s0+$0x0] =	vst v6;
	(ifvalue) =	ssetifvalue $0xFFFFFFFF  }
0x9d: {  	vm6 =	veq.s32 v9, $0x1;
	[hbm4b:s1+s16] =	stream.indirect_vreg.scatter [tilespmem:s0], [sflag:$0x2], $0x1, v7, vm0, $0x4038;
	v7 =	vsel vm4, $0x0, v8;
	[tilespmem:$0xF030] =	vst v63  }
0x9e: {  	s29 =	sadd.s32 $0xF010, s22;
	s22 =	sadd.s32 $0x10, s6;
	s2 =	simm.s32 $0x0;
	vm4 =	vmor vm6, vm5;
	v6 =	vsel vm5, v8, v10;
	v7 =	vshift.insert v7, v0, s21  }
.LBB2_7:
0x9f: {  	v8 =	vld [tilespmem:s22+$0x0];
	s30 =	sadd.s32 $0x10, s30  }
0xa0: {  	s31 =	sadd.s32 $0x10, s31;
	v9 =	vld [tilespmem:s30+$0x0]  }
0xa1: {  	s2 =	sadd.s32 $0x10, s2;
	v10 =	vld [tilespmem:s31+$0x0]  }
0xa2: {  	p2 =	slt.u32 s2, $0x1A80;
	_ =	sdelay $0x2  }
0xa3: {  	v7 =	vadd.f32 v9, v7  }
0xa4: {  	vm5 =	vne.s32 v8, $0xFFFFFFFF  }
0xa5: {  	vm6 =	vmand vm5, vm3;
	(xrf2) =	vadd.seg.scan.f32 vm5, v7;
	_ =	sdelay $0x5  }
0xa6: {  	vm7 =	veq.s32 v8, v5;
	vm5 =	veq.s32 v8, v3  }
0xa7: {  	vm8 =	vgt.u32 v8, $0xFFFFFFFD;
	vm4 =	vmor vm4, vm5;
	vm7 =	vmor vm7, vm5  }
0xa8: {  	vm7 =	vmor vm7, vm8  }
0xa9: {  	v8 =	vsel vm7, $0xFFFFFFFF, v8  }
.Ltmp5:
0xaa: {  	v7 =	vsel vm5, $0x0, v10;
	v9, _, _ =	vpop (xrf2);
	(pc) =	sbr.rel @p2 .LBB2_7-.Ltmp5, $4  }
0xab: {  	v6 =	vsel vm5, v9, v6;
	v10 =	vadd.f32 v9, v7;
	v7 =	vsel vm6, $0x0, v9  }
0xac: {  	s0 =	sadd.s32 $0x10, s0;
	v7 =	vshift.insert v7, v0, s21  }
0xad: {  	s22 =	sadd.s32 $0x10, s22;
	[tilespmem:s0+$0x0] =	vst v10;
	(ifvalue) =	ssetifvalue $0xFFFFFFFF  }
0xae: {  	[hbm4b:s1+s16] =	stream.indirect_vreg.scatter [tilespmem:s0], [sflag:$0x2], $0x1, v8, vm0, $0x4038;
	[tilespmem:$0xF030] =	vst v63  }
0xaf: {  	v3 =	vld [tilespmem:s28+$0xD570];
	_ =	sdelay $0x4  }
0xb0: {  	v3 =	vshift.insert v3, v0, s21  }
0xb1: {  	s0 =	simm.s32 $0x30  }
0xb2: {  	[tilespmem:s0+$0x0] =	vst.msk $0x1, v3  }
0xb3: {  	v3 =	vsel vm4, $0x1, v1;
	[tilespmem:$0x90] =	vst v6  }
0xb4: {  	s0 =	sadd.s32 @!p1 $0xD57F, s28;
	[tilespmem:$0xA0] =	vst v3  }
0xb5: {  	[spmem:s14] =	stream.linear.scatter @!p1 [tilespmem:s0], [sflag:$0x1], $0x1, $0x38;
	[tilespmem:$0xF030] =	vst v63  }
0xb6: {  	s0 =	simm.s32 @!p1 $0x1  }
0xb7: {  	v3 =	vmctz.xlane @!p1 vm4;
	_ =	swait.ge @!p1 [sflag:s0], $0x1  }
0xb8: {  	(v2sf) =	vpush @!p1 v4, $0x0  }
0xb9: {  	(v2sf) =	vpush @!p1 v3, $0x0;
	_ =	sdelay $0xd  }
0xba: {  	s2 =	spop @!p1 (v2sf)  }
0xbb: {  	s6 =	spop @!p1 (v2sf)  }
0xbc: {  	p2 =	sne.s32 @!p1 s26, s2;
	p3 =	slt.s32 @!p1 s6, $0xF  }
0xbd: {  	[sflag:s0] =	ssyncset.done @!p1 $0x0;
	p2 =	por p2, p1;
	p3 =	por !p3, p1  }
0xbe: {  	[sflag:s0] =	ssyncadd.s32 @!p1 $0xFFFFFFFF;
	v3 =	vimm.s32 @!p2 $0xFFFFFFFF;
	s6 =	simm.s32 @p3 $0xF  }
0xbf: {  	[tilespmem:$0x80] =	vst @!p2 v3;
	s2 =	sadd.s32 @!p1 $0x90, s6  }
0xc0: {  	[spmem:s10] =	stream.linear.scatter @!p1 [tilespmem:s2], [sflag:$0x1], $0x1, $0x38;
	[tilespmem:$0xF030] =	vst v63  }
0xc1: {  	_ =	swait.ge @!p1 [sflag:s0], $0x1  }
0xc2: {  	[sflag:s0] =	ssyncset.done @!p1 $0x0  }
0xc3: {  	s2 =	simm.s32 @!p1 $0x80;
	[sflag:s0] =	ssyncadd.s32 @!p1 $0xFFFFFFFF  }
0xc4: {  	[spmem:s15] =	stream.linear.scatter @!p1 [tilespmem:s2], [sflag:$0x1], $0x1, $0x38;
	[tilespmem:$0xF030] =	vst v63  }
0xc5: {  	_ =	swait.ge @!p1 [sflag:s0], $0x1  }
0xc6: {  	[sflag:s0] =	ssyncset.done @!p1 $0x0  }
0xc7: {  	[sflag:s0] =	ssyncadd.s32 @!p1 $0xFFFFFFFF;
	(ifvalue) =	ssetifvalue $0xFFFFFFFF;
	v3 =	vld [tilespmem:s25+$0x10];
	_ =	sdelay $0x3  }
.Ltmp6:
0xc8: {  	_ = 	snop;
	(pc) =	sbr.rel .LBB2_9-.Ltmp6, $3  }
0xc9: {  	_ =	sdelay $0x1  }
0xca: {  	(ifvalue) =	ssetifvalue $0xFFFFFFFF  }
0xcb: {  	[hbm4b:s1+s16] =	stream.indirect_vreg.scatter [tilespmem:s29], [sflag:$0x9], $0x1, v3, vm0, $0x4038;
	[tilespmem:$0xF030] =	vst v63  }
.LBB2_10:
0xcc: {  	_ =	sfence.sel $0x180000  }
0xcd: {  	s0 =	simm.s32 $0x7;
	[bflag:$0x0] =	sbarrier.arrive $0xFFFF  }
0xce: {  	s26 =	simm.s32 $0x8;
	[sflag:s0] =	ssyncpa.u1 $0x1  }
0xcf: {  	s28 =	simm.s32 $0x9;
	[sflag:s26] =	ssyncpa.u1 $0x1  }
0xd0: {  	[sflag:s28] =	ssyncpa.u1 $0x1  }
0xd1: {  	_ =	sfence.stream.spmem  }
0xd2: {  	s29 =	simm.s32 $0x3;
	[bflag:$0x0] =	sbarrier.arrive $0xFFFF  }
0xd3: {  	s30 =	simm.s32 $0x4;
	[sflag:s29] =	ssyncpa.u1 $0x1  }
0xd4: {  	s31 =	simm.s32 $0x3C;
	s2 =	stileid.u32;
	[sflag:s30] =	ssyncpa.u1 $0x1  }
0xd5: {  	p0 =	sne.s32 s2, $0x0;
	[sflag:s31] =	ssyncpa.u1 $0x1  }
0xd6: {  	s0 =	simm.s32 @p0 $0x1;
	_ =	sfence @p0  }
0xd7: {  	[sflag:s0] =	ssyncpa.u1 @p0 $0x1;
	s0 =	simm.s32 @p0 $0x2  }
0xd8: {  	[sflag:s0] =	ssyncpa.u1 @p0 $0x1  }
0xd9: {  	_ =	strace @p0 $0x9000004D  }
0xda: {  	[bflag:$0x2] =	sbarrier.arrive @p0 $0xFFFF  }
0xdb: {  	_ =	shalt @p0  }
.LBB2_11:
0xdc: {  	_ =	sfence.stream.spmem;
	s0 =	simm.s32 $0x5  }
0xdd: {  	s2 =	simm.s32 $0x80;
	s3 =	simm.s32 $0xC0;
	[sflag:s0] =	ssyncpa.u1 $0x0  }
0xde: {  	[tilespmem:s3], [sflag:$0x5] =	stream.linear.gather [spmem:s2], $0x20, $0x38;
	[tilespmem:$0xF030] =	vst v63  }
0xdf: {  	s2 =	simm.s32 $0x0;
	s3 =	simm.s32 $0xE0  }
0xe0: {  	[tilespmem:s3], [sflag:$0x5] =	stream.linear.gather [spmem:s2], $0x20, $0x38;
	[tilespmem:$0xF030] =	vst v63  }
.Ltmp7:
0xe1: {  	_ = 	snop;
	(pc) =	sbr.rel .LBB2_12-.Ltmp7, $4  }
0xe2: {  	_ =	swait.ge [sflag:s0], $0x40  }
0xe3: {  	[sflag:s0] =	ssyncset.done $0x0  }
0xe4: {  	s31 =	simm.s32 $0x6;
	[sflag:s0] =	ssyncadd.s32 $0xFFFFFFC0  }
0xe5: {  	s4 =	simm.s32 $0x0;
	[sflag:s31] =	ssyncpa.u1 $0x0  }
.LBB2_17:
0xe6: {  	p0 =	sgt.u32 s5, $0x61A7FFF  }
0xe7: {  	s0 =	sshrl.u32 @!p0 s5, $0x3  }
0xe8: {  	s5 =	sand.u32 @!p0 $0x7, s5;
	s6 =	simm.s32 @!p0 $0xB0;
	s0 =	sadd.s32 @!p0 s1, s0  }
0xe9: {  	[tilespmem:s6], [sflag:$0x6] =	stream.linear.gather @!p0 [hbm4b:s0+s5], $0x1, $0x38;
	[tilespmem:$0xF030] =	vst v63  }
0xea: {  	s0 =	simm.s32 @!p0 $0x6  }
0xeb: {  	_ =	swait.ge @!p0 [sflag:s0], $0x1  }
0xec: {  	[sflag:s0] =	ssyncset.done @!p0 $0x0  }
0xed: {  	[sflag:s0] =	ssyncadd.s32 @!p0 $0xFFFFFFFF  }
0xee: {  	v2 =	vmov @!p0 s4;
	v1 =	vld.msk @!p0 [tilespmem:$0xB0], $0x1;
	_ =	sdelay $0x3  }
0xef: {  	s0 =	simm.s32 @!p0 $0xE0  }
0xf0: {  	[tilespmem:v2+s0+$0x0], v1 =	vst.idx.ret.add.f32.msk @!p0 $0x1, v1  }
0xf1: {  	[tilespmem:s2+$0xC0] =	vst.msk $0x1, v0  }
0xf2: {  	v0 =	vld.msk [tilespmem:s4+$0xE0], $0x1;
	_ =	sdelay $0x4  }
0xf3: {  	[tilespmem:s2+$0xE0] =	vst.msk $0x1, v0;
	s2 =	sadd.s32 $0x1, s2  }
.LBB2_19:
0xf4: {  	s4 =	sadd.s32 $0x1, s4  }
0xf5: {  	p0 =	sne.s32 s4, $0x20  }
.Ltmp8:
0xf6: {  	_ = 	snop;
	(pc) =	sbr.rel @!p0 .LBB2_20-.Ltmp8, $1  }
0xf7: {  	_ =	sdelay $0x3  }
.LBB2_12:
0xf8: {  	v0 =	vld.msk [tilespmem:s4+$0xC0], $0x1;
	_ =	sdelay $0x4  }
0xf9: {  	(v2sf) =	vpush v0, $0x0;
	_ =	sdelay $0xe  }
0xfa: {  	s5 =	spop (v2sf)  }
0xfb: {  	p0 =	seq.s32 s5, $0xFFFFFFFF  }
.Ltmp9:
0xfc: {  	_ = 	snop;
	(pc) =	sbr.rel @p0 .LBB2_19-.Ltmp9, $1  }
0xfd: {  	_ =	sdelay $0x3  }
0xfe: {  	p0 =	slt.s32 s2, $0x1  }
.Ltmp10:
0xff: {  	_ = 	snop;
	(pc) =	sbr.rel @p0 .LBB2_17-.Ltmp10, $1  }
0x100: {  	_ =	sdelay $0x3  }
0x101: {  	s0 =	simm.s32 $0xC0;
	p0 =	por $0x0, $0x0  }
0x102: {  	v1 =	vld.msk @!p0 [tilespmem:s0+$0x0], $0x1;
	_ =	sdelay $0x4  }
0x103: {  	(v2sf) =	vpush @!p0 v1, $0x0;
	_ =	sdelay $0xd  }
0x104: {  	p2 =	sne.s32 s2, $0x1  }
.Ltmp11:
0x105: {  	s6 =	spop @!p0 (v2sf);
	(pc) =	sbr.rel @!p2 .LBB2_16-.Ltmp11, $4  }
0x106: {  	p1 =	seq.s32 @!p0 s5, s6  }
0x107: {  	s6 =	simm.s32 $0x0;
	p1 =	por !p1, p0  }
0x108: {  	s8 =	simm.s32 $0xFFFFFFFF;
	s6 =	simm.s32 @p1 $0xFFFFFFFF  }
0x109: {  	s7 =	simm.s32 $0x1;
	s6 =	smov.u32 @p0 s8  }
.LBB2_15:
0x10a: {  	s8 =	smov.u32 s6;
	p0 =	sne.s32 s6, $0xFFFFFFFF  }
0x10b: {  	s0 =	sadd.s32 $0x1, s0;
	s6 =	smov.u32 s7;
	s7 =	sadd.s32 $0x1, s7  }
0x10c: {  	p1 =	sne.s32 s2, s7;
	v1 =	vld.msk @!p0 [tilespmem:s0+$0x0], $0x1;
	_ =	sdelay $0x4  }
0x10d: {  	(v2sf) =	vpush @!p0 v1, $0x0;
	_ =	sdelay $0xe  }
.Ltmp12:
0x10e: {  	s9 =	spop @!p0 (v2sf);
	(pc) =	sbr.rel @p1 .LBB2_15-.Ltmp12, $4  }
0x10f: {  	p2 =	seq.s32 @!p0 s5, s9  }
0x110: {  	p2 =	por !p2, p0  }
0x111: {  	s6 =	simm.s32 @p2 $0xFFFFFFFF  }
0x112: {  	s6 =	smov.u32 @p0 s8  }
.LBB2_16:
0x113: {  	p0 =	sne.s32 s6, $0xFFFFFFFF  }
.Ltmp13:
0x114: {  	_ = 	snop;
	(pc) =	sbr.rel @!p0 .LBB2_17-.Ltmp13, $1  }
0x115: {  	_ =	sdelay $0x3  }
0x116: {  	v0 =	vld.msk [tilespmem:s4+$0xE0], $0x1;
	v1 =	vmov s6  }
.Ltmp14:
0x117: {  	_ = 	snop;
	(pc) =	sbr.rel .LBB2_19-.Ltmp14, $2  }
0x118: {  	_ =	sdelay $0x2  }
0x119: {  	[tilespmem:v1+s3+$0x0], v0 =	vst.idx.ret.add.f32.msk $0x1, v0  }
.LBB2_20:
0x11a: {  	p0 =	slt.s32 s2, $0x1  }
.Ltmp15:
0x11b: {  	_ = 	snop;
	(pc) =	sbr.rel @p0 .LBB2_24-.Ltmp15, $3  }
0x11c: {  	_ =	sdelay $0x1  }
0x11d: {  	s0 =	simm.s32 $0x6  }
0x11e: {  	s3 =	simm.s32 $0x0;
	[sflag:s0] =	ssyncpa.u1 $0x1  }
0x11f: {  	s0 =	simm.s32 $0xC0  }
0x120: {  	v0 =	vld.msk [tilespmem:s0+$0x0], $0x1;
	_ =	sdelay $0x4  }
0x121: {  	(v2sf) =	vpush v0, $0x0;
	_ =	sdelay $0xe  }
0x122: {  	s2 =	sadd.s32 $0xFFFFFFFF, s2;
	s4 =	spop (v2sf)  }
0x123: {  	p1 =	sne.s32 s2, $0x0;
	p0 =	sgt.u32 s4, $0x61A7FFF  }
.Ltmp16:
0x124: {  	s5 =	sshrl.u32 @!p0 s4, $0x3;
	(pc) =	sbr.rel @!p1 .LBB2_23-.Ltmp16, $4  }
0x125: {  	s0 =	simm.s32 $0xE0;
	s4 =	sand.u32 @!p0 $0x7, s4;
	s5 =	sadd.s32 @!p0 s1, s5  }
0x126: {  	[hbm4b:s5+s4] =	stream.linear.scatter @!p0 [tilespmem:s0], [sflag:$0x5], $0x1, $0x38;
	[tilespmem:$0xF030] =	vst v63  }
0x127: {  	s5 =	simm.s32 $0x0  }
0x128: {  	s4 =	simm.s32 $0xC1;
	s5 =	simm.s32 @!p0 $0x4  }
.LBB2_22:
0x129: {  	v0 =	vld.msk [tilespmem:s4+$0x0], $0x1;
	s2 =	sadd.s32 $0xFFFFFFFF, s2;
	s3 =	sadd.s32 s3, s5  }
0x12a: {  	p0 =	sne.s32 s2, $0x0;
	_ =	sdelay $0x3  }
0x12b: {  	(v2sf) =	vpush v0, $0x0;
	_ =	sdelay $0xe  }
.Ltmp17:
0x12c: {  	s6 =	spop (v2sf);
	(pc) =	sbr.rel @p0 .LBB2_22-.Ltmp17, $4  }
0x12d: {  	s5 =	simm.s32 $0x0;
	p1 =	sgt.u32 s6, $0x61A7FFF  }
0x12e: {  	s0 =	sadd.s32 $0x1, s0;
	s5 =	simm.s32 @!p1 $0x4;
	s7 =	sshrl.u32 @!p1 s6, $0x3  }
0x12f: {  	s4 =	sadd.s32 $0x1, s4;
	s6 =	sand.u32 @!p1 $0x7, s6;
	s7 =	sadd.s32 @!p1 s1, s7  }
0x130: {  	[hbm4b:s7+s6] =	stream.linear.scatter @!p1 [tilespmem:s0], [sflag:$0x5], $0x1, $0x38;
	[tilespmem:$0xF030] =	vst v63  }
.LBB2_23:
0x131: {  	s0 =	sadd.s32 s3, s5  }
0x132: {  	s3 =	sshrl.u32 s0, $0x2  }
.LBB2_24:
0x133: {  	s0 =	simm.s32 $0x5  }
0x134: {  	_ =	swait.ge [sflag:s0], s3  }
0x135: {  	s1 =	ssub.s32 $0x0, s3;
	[sflag:s0] =	ssyncset.done $0x0  }
0x136: {  	[sflag:s0] =	ssyncadd.s32 s1  }
0x137: {  	[sflag:s0] =	ssyncpa.u1 $0x1  }
0x138: {  	s29 =	simm.s32 $0x1;
	_ =	sfence  }
0x139: {  	s30 =	simm.s32 $0x2;
	[sflag:s29] =	ssyncpa.u1 $0x1  }
0x13a: {  	[sflag:s30] =	ssyncpa.u1 $0x1  }
0x13b: {  	_ =	strace $0x9000004D  }
0x13c: {  	[bflag:$0x2] =	sbarrier.arrive $0xFFFF  }
0x13d: {  	s31 =	rddreg [dreg:$0x1]  }
0x13e: {  	s0 =	sadd.s32 $0x100000, s31  }
0x13f: {  	[sflag:s0] =	ssyncadd.tile.s32 $0x1;
	_ =	shalt  }
.Lfunc_end2:
_tile_overlayer_lowered:
.L_overlay_start_2:
0x140: {  	(tag) =	ssettag $0x2  }
0x141: {  	s0 =	rddreg [dreg:$0x0];
	s2 =	stileid.u32  }
0x142: {  	s1 =	rddreg [dreg:$0x1];
	p0 =	sne.s32 s2, $0x0  }
0x143: {  	s3 =	rddreg [dreg:$0x2];
	[bflag:$0x3] =	sbarrier.arrive $0xFFFF;
	s2 =	simm.s32 @!p0 $0x1C01  }
0x144: {  	[timem:s3], [sflag:s2] =	dma.local @!p0 [hbm:s0], s1  }
0x145: {  	s0 =	simm.s32 @!p0 $0x1  }
0x146: {  	_ =	swait.ge @!p0 [sflag:s0], s1  }
0x147: {  	s1 =	ssub.s32 @!p0 $0x0, s1;
	[sflag:s0] =	ssyncset.done @!p0 $0x0  }
0x148: {  	[sflag:s0] =	ssyncadd.s32 @!p0 s1  }
0x149: {  	[bflag:$0x3] =	sbarrier.arrive $0xFFFF  }
0x14a: {  	_ =	shalt  }

// kernel: scatter_offload_async_start.2
scs
__scs_entry_jumppad:
0x0: {  	(pc) =	sbr.rel $0x88, $3  }
0x1: {  	(tag) =	ssettag $0x0;
	lr =	simm.s32 $0x1  }
0x2: {  	[smem:$0x3F8E] =	sst lr;
	_ =	strace $0xD0000000  }
0x3: {  	_ = 	snop  }
0x4: {  	_ = 	snop  }
0x5: {  	_ = 	snop  }
0x6: {  	_ = 	snop  }
0x7: {  	_ = 	snop  }
__scs_overlays_trampoline_lowered:
0x8: {  	[smem:$0x3F9D] =	sst s0  }
0x9: {  	[smem:$0x3F9E] =	sst s1  }
0xa: {  	[smem:$0x3F9F] =	sst s2  }
0xb: {  	[smem:$0x3FA0] =	sst s3  }
0xc: {  	[smem:$0x3FA1] =	sst s4  }
0xd: {  	[smem:$0x3FA2] =	sst s5  }
0xe: {  	[smem:$0x3FA3] =	sst s6  }
0xf: {  	[smem:$0x3FA4] =	sst s7  }
0x10: {  	[smem:$0x3FA5] =	sst s8  }
0x11: {  	[smem:$0x3FA6] =	sst s9;
	s0 =	simm.s32 @!p0 $0x0  }
0x12: {  	s1 =	sld [smem:$0x3F8C];
	s0 =	simm.s32 @p0 $0x1  }
0x13: {  	[smem:$0x3FA7] =	sst s0;
	s0 =	simm.s32 @!p1 $0x0  }
0x14: {  	s2 =	sld [smem:$0x3F8B];
	s0 =	simm.s32 @p1 $0x1  }
0x15: {  	[smem:$0x3FA8] =	sst s0;
	s0 =	simm.s32 @!p2 $0x0  }
0x16: {  	s3 =	sld [smem:$0x3FDB];
	s0 =	simm.s32 @p2 $0x1  }
0x17: {  	s4 =	simm.s32 $0x1BF5;
	[smem:$0x3FAA] =	sst s0  }
0x18: {  	s0 =	sld [smem:$0x3F8D];
	_ =	swait.ge [sflag:s4], $0x0  }
0x19: {  	s7 =	sld [smem:$0x3F8E]  }
0x1a: {  	s8 =	sadd.s32 $0xFFFFE003, lr  }
0x1b: {  	s9 =	sadd.s32 $0xFFFFFEF7, lr;
	s5 =	simm.s32 $0xFFFFFFFF;
	p2 =	slt.u32 s8, $0xFFFFF086  }
0x1c: {  	p1 =	slt.u32 s9, $0xF7A;
	s5 =	simm.s32 @!p2 $0x0  }
0x1d: {  	s5 =	simm.s32 @p1 $0x1;
	p0 =	seq.s32 s7, s2  }
0x1e: {  	s7 =	smul.u32 @!p0 $0xF7A, s2;
	p2 =	seq.s32 @!p0 s5, $0x0  }
0x1f: {  	s9 =	smul.u32 $0xF7A, s1;
	s8 =	simm.s32 @!p0 $0x1BF5;
	p2 =	por !p2, p0  }
0x20: {  	[sflag:s8] =	ssyncset.s32 @!p0 $0xFFFFF086;
	s6 =	sadd.s32 @!p0 s3, s7;
	s7 =	simm.s32 @!p0 $0x108  }
0x21: {  	s3 =	sadd.s32 s3, s9;
	s6 =	sadd.s32 @!p0 $0x88, s6;
	s7 =	simm.s32 @p2 $0x1082  }
0x22: {  	[simem:s7], [sflag:s8] =	dma.local @!p0 [hbm:s6], $0xF7A  }
0x23: {  	s9 =	sor.u32 $0xD0000000, s2;
	s6 =	simm.s32 $0x108;
	_ =	swait.ge @!p0 [sflag:s8], $0x0  }
0x24: {  	s3 =	sadd.s32 $0x88, s3;
	s6 =	simm.s32 @!p1 $0x1082;
	[sflag:s4] =	ssyncset.s32 $0xFFFFF086  }
0x25: {  	[simem:s6], [sflag:s4] =	dma.local [hbm:s3], $0xF7A  }
0x26: {  	[smem:$0x3F8E] =	sst s1;
	(tag) =	ssettag s2;
	_ =	strace s9  }
0x27: {  	s1 =	sld [smem:$0x3F9E]  }
0x28: {  	s2 =	sld [smem:$0x3F9F]  }
0x29: {  	s4 =	sld [smem:$0x3FA1]  }
0x2a: {  	p0 =	seq.s32 s5, $0x0;
	s5 =	sld [smem:$0x3FA2]  }
0x2b: {  	s6 =	sld [smem:$0x3FA3]  }
0x2c: {  	s7 =	sld [smem:$0x3FA4]  }
0x2d: {  	s3 =	simm.s32 $0x108;
	s8 =	sld [smem:$0x3FA5]  }
0x2e: {  	s3 =	simm.s32 @!p0 $0x1082;
	s9 =	sld [smem:$0x3FA6]  }
0x2f: {  	lr =	sadd.s32 s0, s3;
	s0 =	sld [smem:$0x3F9D]  }
0x30: {  	s3 =	sld [smem:$0x3FA0]  }
0x31: {  	[smem:$0x3FA9] =	sst s10  }
0x32: {  	s10 =	sld [smem:$0x3FA7];
	_ =	sdelay $0x3  }
0x33: {  	p0 =	seq.s32 s10, $0x1;
	s10 =	sld [smem:$0x3FA9];
	_ =	sdelay $0x3  }
0x34: {  	[smem:$0x3FA9] =	sst s10  }
0x35: {  	s10 =	sld [smem:$0x3FA8];
	_ =	sdelay $0x3  }
0x36: {  	p1 =	seq.s32 s10, $0x1;
	s10 =	sld [smem:$0x3FA9];
	_ =	sdelay $0x3  }
0x37: {  	[smem:$0x3FA9] =	sst s10  }
0x38: {  	s10 =	sld [smem:$0x3FAA]  }
0x39: {  	_ = 	snop;
	(pc) =	sbr.ind lr, $3  }
0x3a: {  	_ = 	snop  }
0x3b: {  	_ = 	snop  }
0x3c: {  	p2 =	seq.s32 s10, $0x1;
	s10 =	sld [smem:$0x3FA9]  }
0x3d: {  	_ =	shalt  }
0x3e: {  	_ =	shalt  }
0x3f: {  	_ =	shalt  }
0x40: {  	_ =	shalt  }
0x41: {  	_ =	shalt  }
0x42: {  	_ =	shalt  }
0x43: {  	_ =	shalt  }
0x44: {  	_ =	shalt  }
0x45: {  	_ =	shalt  }
0x46: {  	_ =	shalt  }
0x47: {  	_ =	shalt  }
0x48: {  	_ =	shalt  }
0x49: {  	_ =	shalt  }
0x4a: {  	_ =	shalt  }
0x4b: {  	_ =	shalt  }
0x4c: {  	_ =	shalt  }
0x4d: {  	_ =	shalt  }
0x4e: {  	_ =	shalt  }
0x4f: {  	_ =	shalt  }
0x50: {  	_ =	shalt  }
0x51: {  	_ =	shalt  }
0x52: {  	_ =	shalt  }
0x53: {  	_ =	shalt  }
0x54: {  	_ =	shalt  }
0x55: {  	_ =	shalt  }
0x56: {  	_ =	shalt  }
0x57: {  	_ =	shalt  }
0x58: {  	_ =	shalt  }
0x59: {  	_ =	shalt  }
0x5a: {  	_ =	shalt  }
0x5b: {  	_ =	shalt  }
0x5c: {  	_ =	shalt  }
0x5d: {  	_ =	shalt  }
0x5e: {  	_ =	shalt  }
0x5f: {  	_ =	shalt  }
0x60: {  	_ =	shalt  }
0x61: {  	_ =	shalt  }
0x62: {  	_ =	shalt  }
0x63: {  	_ =	shalt  }
0x64: {  	_ =	shalt  }
0x65: {  	_ =	shalt  }
0x66: {  	_ =	shalt  }
0x67: {  	_ =	shalt  }
0x68: {  	_ =	shalt  }
0x69: {  	_ =	shalt  }
0x6a: {  	_ =	shalt  }
0x6b: {  	_ =	shalt  }
0x6c: {  	_ =	shalt  }
0x6d: {  	_ =	shalt  }
0x6e: {  	_ =	shalt  }
0x6f: {  	_ =	shalt  }
0x70: {  	_ =	shalt  }
0x71: {  	_ =	shalt  }
0x72: {  	_ =	shalt  }
0x73: {  	_ =	shalt  }
0x74: {  	_ =	shalt  }
0x75: {  	_ =	shalt  }
0x76: {  	_ =	shalt  }
0x77: {  	_ =	shalt  }
0x78: {  	_ =	shalt  }
0x79: {  	_ =	shalt  }
0x7a: {  	_ =	shalt  }
0x7b: {  	_ =	shalt  }
0x7c: {  	_ =	shalt  }
0x7d: {  	_ =	shalt  }
0x7e: {  	_ =	shalt  }
0x7f: {  	_ =	shalt  }
0x80: {  	_ =	shalt  }
0x81: {  	_ =	shalt  }
0x82: {  	_ =	shalt  }
0x83: {  	_ =	shalt  }
0x84: {  	_ =	shalt  }
0x85: {  	_ =	shalt  }
0x86: {  	_ =	shalt  }
0x87: {  	_ =	shalt  }
.Lfunc_end0:
.L_simem_size_0:
called_computation.2_lowered:
.L_overlay_start_0:
0x88: {  	s0 =	sld [smem:$0x3FD9]  }
0x89: {  	s1 =	sld [smem:$0x3FFE];
	_ =	sdelay $0x3  }
0x8a: {  	s0 =	sadd.s32 s1, s0  }
0x8b: {  	[smem:$0x3FB5] =	sst s0  }
0x8c: {  	_ = 	snop  }
0x8d: {  	s0 =	sld [smem:$0x3FD0];
	_ =	sdelay $0x2  }
0x8e: {  	s13 =	simm.s32 $0xB;
	s2 =	simm.s32 $0x10  }
0x8f: {  	[smem:s2], [sflag:s13] =	dma.local [hbm:s0], $0x1  }
0x90: {  	_ =	swait.eq [sflag:s13], $0x1  }
0x91: {  	[sflag:s13] =	ssyncset.done $0x0  }
0x92: {  	s14 =	sld [smem:$0x10];
	[sflag:s13] =	ssyncadd.s32 $0xFFFFFFFF  }
0x93: {  	s15 =	sld [smem:$0x11];
	(tm) =	ssettm $0x1  }
0x94: {  	s16 =	sld [smem:$0x3FFB];
	_ =	sdelay $0x3  }
0x95: {  	_ =	strace s16  }
0x96: {  	s2 =	sld [smem:$0x3FFC];
	_ =	sdelay $0x3  }
0x97: {  	_ =	strace s2  }
0x98: {  	s2 =	sld [smem:$0x3FFD];
	_ =	sdelay $0x3  }
0x99: {  	_ =	strace s2  }
0x9a: {  	_ =	strace $0x8FFFFFFF  }
0x9b: {  	s17 =	sld [smem:$0x3FDB];
	_ =	sdelay $0x1  }
0x9c: {  	s3 =	simm.s32 $_scs_section_size  }
0x9d: {  	s4 =	simm.s32 $_size__tile_overlayer_lowered;
	s5 =	simm.s32 $_tile_overlayer_lowered  }
0x9e: {  	s20 =	simm.s32 $0x1BFF;
	s19 =	sshll.u32 s5, $0x1;
	s2 =	sadd.s32 s3, s17  }
0x9f: {  	s6 =	simm.s32 $0x0;
	s18 =	sshll.u32 s4, $0x1;
	s4 =	sadd.s32 s19, s2  }
0xa0: {  	[timem:s6], [sflag:s20] =	dma.local [hbm:s4], s18  }
0xa1: {  	_ =	swait.ge [sflag:s20], s18  }
0xa2: {  	s3 =	ssub.s32 $0x0, s18;
	[sflag:s20] =	ssyncset.done $0x0  }
0xa3: {  	[sflag:s20] =	ssyncadd.s32 s3;
	_ =	sdelay $0x1  }
0xa4: {  	s21 =	simm.s32 $0x1B8B  }
0xa5: {  	_ =	swait.ge [sflag:s21], $0x1  }
0xa6: {  	[sflag:s21] =	ssyncset.done $0x0  }
0xa7: {  	s23 =	simm.s32 $0x1B8E;
	s22 =	sld [smem:$0x3FFE];
	[sflag:s21] =	ssyncadd.s32 $0xFFFFFFFF  }
0xa8: {  	s24 =	simm.s32 $execute0_lowered;
	[smem:$0x3FD2] =	sst s23  }
0xa9: {  	s4 =	sshll.u32 s24, $0x1;
	_ =	strace $0x80000049;
	[dreg:$0x1] =	wrdreg $0xFFFFFFFF  }
0xaa: {  	s25 =	simm.s32 $_size_execute0_lowered;
	s2 =	sadd.s32 s2, s4;
	[dreg:$0x0] =	wrdreg $0x0  }
0xab: {  	s4 =	sshll.u32 s25, $0x1;
	[dreg:$0x2] =	wrdreg s2  }
0xac: {  	[dreg:$0x3] =	wrdreg s4  }
0xad: {  	[dreg:$0x4] =	wrdreg $0xC0  }
0xae: {  	_ =	task [dreg:s6], $0x5FFFF  }
0xaf: {  	[dreg:$0x1] =	wrdreg $0xFFFFFFFF  }
0xb0: {  	[dreg:$0x0] =	wrdreg $0x60  }
0xb1: {  	[dreg:$0x2] =	wrdreg s14  }
0xb2: {  	[dreg:$0x3] =	wrdreg s15  }
0xb3: {  	[dreg:$0x4] =	wrdreg s22  }
0xb4: {  	[dreg:$0x5] =	wrdreg $0x9  }
0xb5: {  	_ =	task.clear_ibuf [dreg:s6], $0x6FFFF;
	_ =	strace $0x90000049  }
0xb6: {  	s26 =	simm.s32 $0x9;
	_ =	strace $0x8000004B  }
0xb7: {  	_ =	swait.ge [sflag:s26], $0x1  }
0xb8: {  	[sflag:s26] =	ssyncadd.s32 $0xFFFFFFFF  }
0xb9: {  	_ =	strace $0x9000004B  }
0xba: {  	_ =	sfence  }
0xbb: {  	s28 =	sld [smem:$0x0];
	_ =	sdelay $0x1  }
0xbc: {  	s29 =	srdreg.scid  }
0xbd: {  	s30 =	sshll.u32 s29, $0xD;
	s31 =	sshrl.u32 s29, $0x2  }
0xbe: {  	s1 =	sand.u32 $0x1, s29;
	s2 =	sand.u32 $0x4000, s30;
	s0 =	sadd.s32 s31, s28  }
0xbf: {  	s1 =	sor.u32 s2, s1;
	s0 =	sshll.u32 s0, $0x11  }
0xc0: {  	s0 =	sor.u32 s0, s1  }
0xc1: {  	s0 =	sadd.s32 $0x8F2B, s0  }
0xc2: {  	[sflag:s0] =	ssyncadd.remote.s32 $0x1  }
0xc3: {  	_ =	sfence.sel $0xFFFF  }
0xc4: {  	[dreg:$0x0] =	wrdreg $0xFFFFFFFF;
	(pc) =	sbr.abs _section_cstart, $3  }
0xc5: {  	[dreg:$0x1] =	wrdreg $0xFFFFFFFF  }
0xc6: {  	_ =	task.clear_ibuf [dreg:s6], $0x2FFFF;
	_ =	strace $0x9FFFFFFF  }
0xc7: {  	(tm) =	ssettm $0x7FFFFFFF  }
tec
execute0_lowered:
.L_overlay_start_1:
0x0: {  	(tag) =	ssettag $0x1  }
0x1: {  	s1 =	rddreg [dreg:$0x0]  }
0x2: {  	s2 =	rddreg [dreg:$0x1]  }
0x3: {  	s7 =	rddreg [dreg:$0x2]  }
0x4: {  	s0 =	rddreg [dreg:$0x3]  }
0x5: {  	s4 =	stileid.u32;
	_ =	strace $0x8000004A;
	s5 =	simm.s32 $0x3E  }
0x6: {  	p0 =	sne.s32 s4, $0x0;
	[sflag:s5] =	ssyncpa.u1 $0x0  }
0x7: {  	s30 =	smin.u32 s4, $0x9;
	s3 =	simm.s32 @!p0 $0x1C3E;
	s6 =	simm.s32 @!p0 $0x0  }
0x8: {  	[spmem:s6], [sflag:s3] =	dma.local @!p0 [hbm:s1], $0x500  }
0x9: {  	s3 =	sadd.s32 s4, s30  }
0xa: {  	p1 =	slt.u32 s4, $0x9;
	s4 =	simm.s32 $0x320;
	s3 =	smul.u32 $0x190, s3  }
0xb: {  	s4 =	simm.s32 @!p1 $0x190  }
0xc: {  	s4 =	sadd.s32 s4, s3  }
0xd: {  	s4 =	smin.u32 s4, $0x2710  }
0xe: {  	s8 =	ssub.s32 s4, s3  }
0xf: {  	p1 =	sgt.s32 s8, $0x0  }
0x10: {  	s8 =	simm.s32 @!p1 $0x0  }
0x11: {  	s9 =	sand.u32 $0xFFF0, s8  }
0x12: {  	s9 =	sshrl.u32 s9, $0x4  }
0x13: {  	s6 =	simm.s32 @!p0 $0x3E;
	s31 =	smul.u32 $0xA3E, s9  }
0x14: {  	_ =	swait.ge @!p0 [sflag:s6], $0x500  }
0x15: {  	[sflag:s6] =	ssyncset.done @!p0 $0x0;
	s9 =	sshrl.u32 s31, $0x10  }
0x16: {  	s11 =	simm.s32 $0x0;
	[sflag:s6] =	ssyncadd.s32 @!p0 $0xFFFFFB00;
	s10 =	smul.u32 $0x190, s9  }
.Ltmp0:
0x17: {  	s7 =	sadd.s32 $0xAAA00, s7;
	[bflag:$0x0] =	sbarrier.arrive $0xFFFF;
	(pc) =	sbr.rel .LBB2_1-.Ltmp0, $4  }
0x18: {  	s6 =	simm.s32 $0x2;
	[sflag:s5] =	ssyncpa.u1 $0x1;
	s5 =	simm.s32 $0x1  }
0x19: {  	[sflag:s5] =	ssyncpa.u1 $0x0;
	p1 =	sne.s32 s8, s10;
	s8 =	simm.s32 $0x1  }
0x1a: {  	(ifvalue) =	ssetifvalue $0x2800;
	[sflag:s6] =	ssyncpa.u1 $0x0;
	s8 =	simm.s32 @!p1 $0x0  }
0x1b: {  	vm0 =	vmmov $0xffff;
	s10 =	smov.u32 s3;
	s8 =	sadd.s32 s9, s8;
	s9 =	simm.s32 $0x0  }
.LBB2_5:
0x1c: {  	p2 =	sne.s32 s11, s8  }
.Ltmp1:
0x1d: {  	_ = 	snop;
	(pc) =	sbr.rel @!p2 .LBB2_6-.Ltmp1, $4  }
0x1e: {  	_ = 	snop  }
0x1f: {  	s12 =	sadd.s32 $0x190, s10  }
0x20: {  	s10 =	smov.u32 s3;
	s13 =	sadd.s32 $0x1, s11;
	p1 =	slt.s32 s12, s4  }
0x21: {  	s11 =	smov.u32 s13;
	s10 =	smov.u32 @p1 s12  }
.LBB2_1:
0x22: {  	p1 =	sge.u32 s11, s8  }
0x23: {  	s12 =	sxor.u32 @!p1 $0xFFFFFFFF, s11  }
0x24: {  	s12 =	sand.u32 @!p1 $0x1, s12  }
0x25: {  	s12 =	smul.u32 @!p1 $0x190, s12  }
0x26: {  	s13 =	sshrl.u32 @!p1 s10, $0x3  }
0x27: {  	s16 =	sand.u32 @!p1 $0x7, s10;
	s14 =	sadd.s32 @!p1 s2, s13;
	s15 =	sadd.s32 @!p1 $0x280, s12  }
0x28: {  	[tilespmem:s15], [sflag:$0x2] =	stream.linear.gather @!p1 [hbm4b:s14+s16], $0x190, $0x38;
	[tilespmem:$0x8C0] =	vst v63  }
0x29: {  	s13 =	sadd.s32 @!p1 s7, s13;
	s12 =	sadd.s32 @!p1 $0x5A0, s12  }
0x2a: {  	[tilespmem:s12], [sflag:$0x2] =	stream.linear.gather @!p1 [hbm4b:s13+s16], $0x190, $0x38;
	[tilespmem:$0x8C0] =	vst v63  }
0x2b: {  	p1 =	seq.s32 s11, $0x0  }
.Ltmp2:
0x2c: {  	_ = 	snop;
	(pc) =	sbr.rel @p1 .LBB2_5-.Ltmp2, $1  }
0x2d: {  	_ =	sdelay $0x3  }
0x2e: {  	s12 =	sand.u32 $0x1, s11  }
0x2f: {  	_ =	swait.ge [sflag:s6], $0x320;
	p1 =	seq.s32 s12, $0x1;
	s12 =	simm.s32 $0x190  }
0x30: {  	[sflag:s6] =	ssyncset.done $0x0;
	s12 =	simm.s32 @!p1 $0x0  }
0x31: {  	[sflag:s6] =	ssyncadd.s32 $0xFFFFFCE0;
	s14 =	sadd.s32 $0x280, s12  }
0x32: {  	v0 =	vld.msk [tilespmem:s14+$0x0 ss:$0x1], $0xffff;
	_ =	sdelay $0x4  }
0x33: {  	v0 =	vmin.u32 v0, $0x2800;
	_ =	sdelay $0x3  }
0x34: {  	s13 =	simm.s32 $0x0;
	s12 =	sadd.s32 $0x5A0, s12;
	s14 =	sadd.s32 $0x10, s14  }
0x35: {  	[spmem:s9] =	stream.indirect_vreg.scatter.add.s32 [tilespmem:s12], [sflag:$0x1], $0x1, v0, vm0, $0x4038;
	[tilespmem:$0x8C0] =	vst v63  }
.LBB2_3:
0x36: {  	v0 =	vld.msk [tilespmem:s14+$0x0 ss:$0x1], $0xffff;
	s13 =	sadd.s32 $0x10, s13  }
0x37: {  	p1 =	slt.u32 s13, $0x180;
	_ =	sdelay $0x4  }
0x38: {  	v0 =	vmin.u32 v0, $0x2800  }
.Ltmp3:
0x39: {  	(pc) =	sbr.rel @p1 .LBB2_3-.Ltmp3, $3  }
0x3a: {  	_ =	sdelay $0x1  }
0x3b: {  	s14 =	sadd.s32 $0x10, s14;
	s12 =	sadd.s32 $0x10, s12  }
0x3c: {  	[spmem:s9] =	stream.indirect_vreg.scatter.add.s32 [tilespmem:s12], [sflag:$0x1], $0x1, v0, vm0, $0x4038;
	[tilespmem:$0x8C0] =	vst v63  }
.Ltmp4:
0x3d: {  	(pc) =	sbr.rel .LBB2_5-.Ltmp4, $4  }
0x3e: {  	_ = 	snop  }
0x3f: {  	_ =	swait.ge [sflag:s5], $0x190  }
0x40: {  	[sflag:s5] =	ssyncset.done $0x0  }
0x41: {  	[sflag:s5] =	ssyncadd.s32 $0xFFFFFE70  }
.LBB2_6:
0x42: {  	_ =	sfence.sel $0x180000  }
0x43: {  	s2 =	simm.s32 $0x2;
	[bflag:$0x0] =	sbarrier.arrive $0xFFFF  }
0x44: {  	s30 =	simm.s32 $0x1;
	[sflag:s2] =	ssyncpa.u1 $0x1  }
0x45: {  	[sflag:s30] =	ssyncpa.u1 $0x1  }
0x46: {  	_ =	sfence.stream.spmem  }
0x47: {  	s31 =	simm.s32 $0x3D;
	[bflag:$0x0] =	sbarrier.arrive $0xFFFF  }
0x48: {  	s2 =	simm.s32 @p0 $0x3D;
	[sflag:s31] =	ssyncpa.u1 $0x0  }
0x49: {  	[sflag:s2] =	ssyncpa.u1 @p0 $0x1  }
0x4a: {  	[bflag:$0x0] =	sbarrier.arrive @p0 $0xFFFF  }
0x4b: {  	_ =	strace @p0 $0x9000004A  }
0x4c: {  	s3 =	simm.s32 @!p0 $0x1C3D;
	s2 =	simm.s32 @!p0 $0x0;
	[bflag:$0x2] =	sbarrier.arrive @p0 $0xFFFF  }
0x4d: {  	[hbm:s1], [sflag:s3] =	dma.local @!p0 [spmem:s2], $0x500  }
0x4e: {  	s1 =	simm.s32 @!p0 $0x3D  }
0x4f: {  	_ =	swait.ge @!p0 [sflag:s1], $0x500  }
0x50: {  	[sflag:s1] =	ssyncset.done @!p0 $0x0  }
0x51: {  	[sflag:s1] =	ssyncadd.s32 @!p0 $0xFFFFFB00  }
0x52: {  	[sflag:s1] =	ssyncpa.u1 @!p0 $0x1  }
0x53: {  	[bflag:$0x0] =	sbarrier.arrive @!p0 $0xFFFF  }
0x54: {  	_ =	strace @!p0 $0x9000004A  }
0x55: {  	s0 =	sadd.s32 @!p0 $0x100000, s0;
	[bflag:$0x2] =	sbarrier.arrive @!p0 $0xFFFF  }
0x56: {  	[sflag:s0] =	ssyncadd.tile.s32 @!p0 $0x1;
	_ =	shalt  }
.Lfunc_end2:
_tile_overlayer_lowered:
.L_overlay_start_2:
0x57: {  	(tag) =	ssettag $0x2  }
0x58: {  	s0 =	rddreg [dreg:$0x0];
	s2 =	stileid.u32  }
0x59: {  	s1 =	rddreg [dreg:$0x1];
	p0 =	sne.s32 s2, $0x0  }
0x5a: {  	s3 =	rddreg [dreg:$0x2];
	[bflag:$0x3] =	sbarrier.arrive $0xFFFF;
	s2 =	simm.s32 @!p0 $0x1C01  }
0x5b: {  	[timem:s3], [sflag:s2] =	dma.local @!p0 [hbm:s0], s1  }
0x5c: {  	s0 =	simm.s32 @!p0 $0x1  }
0x5d: {  	_ =	swait.ge @!p0 [sflag:s0], s1  }
0x5e: {  	s1 =	ssub.s32 @!p0 $0x0, s1;
	[sflag:s0] =	ssyncset.done @!p0 $0x0  }
0x5f: {  	[sflag:s0] =	ssyncadd.s32 @!p0 s1  }
0x60: {  	[bflag:$0x3] =	sbarrier.arrive $0xFFFF  }
0x61: {  	_ =	shalt  }

// kernel: scatter_offload_async_start
scs
__scs_entry_jumppad:
0x0: {  	(pc) =	sbr.rel $0x88, $3  }
0x1: {  	(tag) =	ssettag $0x0;
	lr =	simm.s32 $0x1  }
0x2: {  	[smem:$0x3F8E] =	sst lr;
	_ =	strace $0xD0000000  }
0x3: {  	_ = 	snop  }
0x4: {  	_ = 	snop  }
0x5: {  	_ = 	snop  }
0x6: {  	_ = 	snop  }
0x7: {  	_ = 	snop  }
__scs_overlays_trampoline_lowered:
0x8: {  	[smem:$0x3F9D] =	sst s0  }
0x9: {  	[smem:$0x3F9E] =	sst s1  }
0xa: {  	[smem:$0x3F9F] =	sst s2  }
0xb: {  	[smem:$0x3FA0] =	sst s3  }
0xc: {  	[smem:$0x3FA1] =	sst s4  }
0xd: {  	[smem:$0x3FA2] =	sst s5  }
0xe: {  	[smem:$0x3FA3] =	sst s6  }
0xf: {  	[smem:$0x3FA4] =	sst s7  }
0x10: {  	[smem:$0x3FA5] =	sst s8  }
0x11: {  	[smem:$0x3FA6] =	sst s9;
	s0 =	simm.s32 @!p0 $0x0  }
0x12: {  	s1 =	sld [smem:$0x3F8C];
	s0 =	simm.s32 @p0 $0x1  }
0x13: {  	[smem:$0x3FA7] =	sst s0;
	s0 =	simm.s32 @!p1 $0x0  }
0x14: {  	s2 =	sld [smem:$0x3F8B];
	s0 =	simm.s32 @p1 $0x1  }
0x15: {  	[smem:$0x3FA8] =	sst s0;
	s0 =	simm.s32 @!p2 $0x0  }
0x16: {  	s3 =	sld [smem:$0x3FDB];
	s0 =	simm.s32 @p2 $0x1  }
0x17: {  	s4 =	simm.s32 $0x1BF5;
	[smem:$0x3FAA] =	sst s0  }
0x18: {  	s0 =	sld [smem:$0x3F8D];
	_ =	swait.ge [sflag:s4], $0x0  }
0x19: {  	s7 =	sld [smem:$0x3F8E]  }
0x1a: {  	s8 =	sadd.s32 $0xFFFFE003, lr  }
0x1b: {  	s9 =	sadd.s32 $0xFFFFFEF7, lr;
	s5 =	simm.s32 $0xFFFFFFFF;
	p2 =	slt.u32 s8, $0xFFFFF086  }
0x1c: {  	p1 =	slt.u32 s9, $0xF7A;
	s5 =	simm.s32 @!p2 $0x0  }
0x1d: {  	s5 =	simm.s32 @p1 $0x1;
	p0 =	seq.s32 s7, s2  }
0x1e: {  	s7 =	smul.u32 @!p0 $0xF7A, s2;
	p2 =	seq.s32 @!p0 s5, $0x0  }
0x1f: {  	s9 =	smul.u32 $0xF7A, s1;
	s8 =	simm.s32 @!p0 $0x1BF5;
	p2 =	por !p2, p0  }
0x20: {  	[sflag:s8] =	ssyncset.s32 @!p0 $0xFFFFF086;
	s6 =	sadd.s32 @!p0 s3, s7;
	s7 =	simm.s32 @!p0 $0x108  }
0x21: {  	s3 =	sadd.s32 s3, s9;
	s6 =	sadd.s32 @!p0 $0x88, s6;
	s7 =	simm.s32 @p2 $0x1082  }
0x22: {  	[simem:s7], [sflag:s8] =	dma.local @!p0 [hbm:s6], $0xF7A  }
0x23: {  	s9 =	sor.u32 $0xD0000000, s2;
	s6 =	simm.s32 $0x108;
	_ =	swait.ge @!p0 [sflag:s8], $0x0  }
0x24: {  	s3 =	sadd.s32 $0x88, s3;
	s6 =	simm.s32 @!p1 $0x1082;
	[sflag:s4] =	ssyncset.s32 $0xFFFFF086  }
0x25: {  	[simem:s6], [sflag:s4] =	dma.local [hbm:s3], $0xF7A  }
0x26: {  	[smem:$0x3F8E] =	sst s1;
	(tag) =	ssettag s2;
	_ =	strace s9  }
0x27: {  	s1 =	sld [smem:$0x3F9E]  }
0x28: {  	s2 =	sld [smem:$0x3F9F]  }
0x29: {  	s4 =	sld [smem:$0x3FA1]  }
0x2a: {  	p0 =	seq.s32 s5, $0x0;
	s5 =	sld [smem:$0x3FA2]  }
0x2b: {  	s6 =	sld [smem:$0x3FA3]  }
0x2c: {  	s7 =	sld [smem:$0x3FA4]  }
0x2d: {  	s3 =	simm.s32 $0x108;
	s8 =	sld [smem:$0x3FA5]  }
0x2e: {  	s3 =	simm.s32 @!p0 $0x1082;
	s9 =	sld [smem:$0x3FA6]  }
0x2f: {  	lr =	sadd.s32 s0, s3;
	s0 =	sld [smem:$0x3F9D]  }
0x30: {  	s3 =	sld [smem:$0x3FA0]  }
0x31: {  	[smem:$0x3FA9] =	sst s10  }
0x32: {  	s10 =	sld [smem:$0x3FA7];
	_ =	sdelay $0x3  }
0x33: {  	p0 =	seq.s32 s10, $0x1;
	s10 =	sld [smem:$0x3FA9];
	_ =	sdelay $0x3  }
0x34: {  	[smem:$0x3FA9] =	sst s10  }
0x35: {  	s10 =	sld [smem:$0x3FA8];
	_ =	sdelay $0x3  }
0x36: {  	p1 =	seq.s32 s10, $0x1;
	s10 =	sld [smem:$0x3FA9];
	_ =	sdelay $0x3  }
0x37: {  	[smem:$0x3FA9] =	sst s10  }
0x38: {  	s10 =	sld [smem:$0x3FAA]  }
0x39: {  	_ = 	snop;
	(pc) =	sbr.ind lr, $3  }
0x3a: {  	_ = 	snop  }
0x3b: {  	_ = 	snop  }
0x3c: {  	p2 =	seq.s32 s10, $0x1;
	s10 =	sld [smem:$0x3FA9]  }
0x3d: {  	_ =	shalt  }
0x3e: {  	_ =	shalt  }
0x3f: {  	_ =	shalt  }
0x40: {  	_ =	shalt  }
0x41: {  	_ =	shalt  }
0x42: {  	_ =	shalt  }
0x43: {  	_ =	shalt  }
0x44: {  	_ =	shalt  }
0x45: {  	_ =	shalt  }
0x46: {  	_ =	shalt  }
0x47: {  	_ =	shalt  }
0x48: {  	_ =	shalt  }
0x49: {  	_ =	shalt  }
0x4a: {  	_ =	shalt  }
0x4b: {  	_ =	shalt  }
0x4c: {  	_ =	shalt  }
0x4d: {  	_ =	shalt  }
0x4e: {  	_ =	shalt  }
0x4f: {  	_ =	shalt  }
0x50: {  	_ =	shalt  }
0x51: {  	_ =	shalt  }
0x52: {  	_ =	shalt  }
0x53: {  	_ =	shalt  }
0x54: {  	_ =	shalt  }
0x55: {  	_ =	shalt  }
0x56: {  	_ =	shalt  }
0x57: {  	_ =	shalt  }
0x58: {  	_ =	shalt  }
0x59: {  	_ =	shalt  }
0x5a: {  	_ =	shalt  }
0x5b: {  	_ =	shalt  }
0x5c: {  	_ =	shalt  }
0x5d: {  	_ =	shalt  }
0x5e: {  	_ =	shalt  }
0x5f: {  	_ =	shalt  }
0x60: {  	_ =	shalt  }
0x61: {  	_ =	shalt  }
0x62: {  	_ =	shalt  }
0x63: {  	_ =	shalt  }
0x64: {  	_ =	shalt  }
0x65: {  	_ =	shalt  }
0x66: {  	_ =	shalt  }
0x67: {  	_ =	shalt  }
0x68: {  	_ =	shalt  }
0x69: {  	_ =	shalt  }
0x6a: {  	_ =	shalt  }
0x6b: {  	_ =	shalt  }
0x6c: {  	_ =	shalt  }
0x6d: {  	_ =	shalt  }
0x6e: {  	_ =	shalt  }
0x6f: {  	_ =	shalt  }
0x70: {  	_ =	shalt  }
0x71: {  	_ =	shalt  }
0x72: {  	_ =	shalt  }
0x73: {  	_ =	shalt  }
0x74: {  	_ =	shalt  }
0x75: {  	_ =	shalt  }
0x76: {  	_ =	shalt  }
0x77: {  	_ =	shalt  }
0x78: {  	_ =	shalt  }
0x79: {  	_ =	shalt  }
0x7a: {  	_ =	shalt  }
0x7b: {  	_ =	shalt  }
0x7c: {  	_ =	shalt  }
0x7d: {  	_ =	shalt  }
0x7e: {  	_ =	shalt  }
0x7f: {  	_ =	shalt  }
0x80: {  	_ =	shalt  }
0x81: {  	_ =	shalt  }
0x82: {  	_ =	shalt  }
0x83: {  	_ =	shalt  }
0x84: {  	_ =	shalt  }
0x85: {  	_ =	shalt  }
0x86: {  	_ =	shalt  }
0x87: {  	_ =	shalt  }
.Lfunc_end0:
.L_simem_size_0:
called_computation_lowered:
.L_overlay_start_0:
0x88: {  	s0 =	sld [smem:$0x3FD9]  }
0x89: {  	s1 =	sld [smem:$0x3FFE];
	_ =	sdelay $0x3  }
0x8a: {  	s0 =	sadd.s32 s1, s0  }
0x8b: {  	[smem:$0x3FB5] =	sst s0  }
0x8c: {  	_ = 	snop  }
0x8d: {  	s0 =	sld [smem:$0x3FD0];
	_ =	sdelay $0x2  }
0x8e: {  	s13 =	simm.s32 $0xB;
	s2 =	simm.s32 $0x10  }
0x8f: {  	[smem:s2], [sflag:s13] =	dma.local [hbm:s0], $0x1  }
0x90: {  	_ =	swait.eq [sflag:s13], $0x1  }
0x91: {  	[sflag:s13] =	ssyncset.done $0x0  }
0x92: {  	[sflag:s13] =	ssyncadd.s32 $0xFFFFFFFF  }
0x93: {  	s14 =	sld [smem:$0x10];
	(tm) =	ssettm $0x1  }
0x94: {  	s15 =	sld [smem:$0x3FFB];
	_ =	sdelay $0x3  }
0x95: {  	_ =	strace s15  }
0x96: {  	s1 =	sld [smem:$0x3FFC];
	_ =	sdelay $0x3  }
0x97: {  	_ =	strace s1  }
0x98: {  	s1 =	sld [smem:$0x3FFD];
	_ =	sdelay $0x3  }
0x99: {  	_ =	strace s1  }
0x9a: {  	_ =	strace $0x8FFFFFFF  }
0x9b: {  	s16 =	sld [smem:$0x3FDB];
	_ =	sdelay $0x1  }
0x9c: {  	s17 =	simm.s32 $_scs_section_size  }
0x9d: {  	s3 =	simm.s32 $_size__tile_overlayer_lowered;
	s4 =	simm.s32 $_tile_overlayer_lowered  }
0x9e: {  	s20 =	simm.s32 $0x1BFF;
	s19 =	sshll.u32 s4, $0x1;
	s1 =	sadd.s32 s17, s16  }
0x9f: {  	s5 =	simm.s32 $0x0;
	s18 =	sshll.u32 s3, $0x1;
	s3 =	sadd.s32 s19, s1  }
0xa0: {  	[timem:s5], [sflag:s20] =	dma.local [hbm:s3], s18  }
0xa1: {  	_ =	swait.ge [sflag:s20], s18  }
0xa2: {  	s2 =	ssub.s32 $0x0, s18;
	[sflag:s20] =	ssyncset.done $0x0  }
0xa3: {  	[sflag:s20] =	ssyncadd.s32 s2;
	_ =	sdelay $0x1  }
0xa4: {  	s21 =	simm.s32 $0x1B8B  }
0xa5: {  	_ =	swait.ge [sflag:s21], $0x1  }
0xa6: {  	[sflag:s21] =	ssyncset.done $0x0  }
0xa7: {  	s23 =	simm.s32 $0x1B8E;
	s22 =	sld [smem:$0x3FFE];
	[sflag:s21] =	ssyncadd.s32 $0xFFFFFFFF  }
0xa8: {  	s24 =	simm.s32 $execute0_lowered;
	[smem:$0x3FD2] =	sst s23  }
0xa9: {  	s3 =	sshll.u32 s24, $0x1;
	_ =	strace $0x80000046;
	[dreg:$0x1] =	wrdreg $0xFFFFFFFF  }
0xaa: {  	s25 =	simm.s32 $_size_execute0_lowered;
	s1 =	sadd.s32 s1, s3;
	[dreg:$0x0] =	wrdreg $0x0  }
0xab: {  	s3 =	sshll.u32 s25, $0x1;
	[dreg:$0x2] =	wrdreg s1  }
0xac: {  	[dreg:$0x3] =	wrdreg s3  }
0xad: {  	[dreg:$0x4] =	wrdreg $0xC0  }
0xae: {  	_ =	task [dreg:s5], $0x5FFFF  }
0xaf: {  	[dreg:$0x1] =	wrdreg $0xFFFFFFFF  }
0xb0: {  	[dreg:$0x0] =	wrdreg $0x60  }
0xb1: {  	[dreg:$0x2] =	wrdreg s14  }
0xb2: {  	[dreg:$0x3] =	wrdreg s22  }
0xb3: {  	[dreg:$0x4] =	wrdreg $0x9  }
0xb4: {  	_ =	task.clear_ibuf [dreg:s5], $0x5FFFF;
	_ =	strace $0x90000046  }
0xb5: {  	s26 =	simm.s32 $0x9;
	_ =	strace $0x80000048  }
0xb6: {  	_ =	swait.ge [sflag:s26], $0x1  }
0xb7: {  	[sflag:s26] =	ssyncadd.s32 $0xFFFFFFFF  }
0xb8: {  	_ =	strace $0x90000048  }
0xb9: {  	_ =	sfence  }
0xba: {  	s28 =	sld [smem:$0x0];
	_ =	sdelay $0x1  }
0xbb: {  	s29 =	srdreg.scid  }
0xbc: {  	s30 =	sshll.u32 s29, $0xD;
	s31 =	sshrl.u32 s29, $0x2  }
0xbd: {  	s2 =	sand.u32 $0x4000, s30;
	s1 =	sand.u32 $0x1, s29;
	s0 =	sadd.s32 s31, s28  }
0xbe: {  	s1 =	sor.u32 s2, s1;
	s0 =	sshll.u32 s0, $0x11  }
0xbf: {  	s0 =	sor.u32 s0, s1  }
0xc0: {  	s0 =	sadd.s32 $0x8F2B, s0  }
0xc1: {  	[sflag:s0] =	ssyncadd.remote.s32 $0x1  }
0xc2: {  	_ =	sfence.sel $0xFFFF  }
0xc3: {  	[dreg:$0x0] =	wrdreg $0xFFFFFFFF;
	(pc) =	sbr.abs _section_cstart, $3  }
0xc4: {  	[dreg:$0x1] =	wrdreg $0xFFFFFFFF  }
0xc5: {  	_ =	task.clear_ibuf [dreg:s5], $0x2FFFF;
	_ =	strace $0x9FFFFFFF  }
0xc6: {  	(tm) =	ssettm $0x7FFFFFFF  }
0xc7: {  	_ =	shalt  }
tec
execute0_lowered:
.L_overlay_start_1:
0x0: {  	(tag) =	ssettag $0x1  }
0x1: {  	s1 =	rddreg [dreg:$0x0]  }
0x2: {  	s0 =	rddreg [dreg:$0x1]  }
0x3: {  	s6 =	stileid.u32;
	_ =	strace $0x80000047;
	s2 =	simm.s32 $0x1  }
0x4: {  	v1 =	vimm.s32 $0xFFFFFFFF;
	s3 =	smin.u32 s6, $0x9;
	[sflag:s2] =	ssyncpa.u1 $0x0  }
0x5: {  	s3 =	sadd.s32 s6, s3;
	[tilespmem:$0x10] =	vst v1  }
0x6: {  	s4 =	simm.s32 $0x3520;
	v0 =	vimm.f32 $0.0e+00;
	p0 =	slt.u32 s6, $0x9;
	[tilespmem:$0x20] =	vst v1;
	s3 =	smul.u32 $0x1A90, s3  }
0x7: {  	s4 =	simm.s32 @!p0 $0x1A90;
	[tilespmem:$0x30] =	vst v0  }
0x8: {  	[tilespmem:$0x40] =	vst v0;
	s4 =	sadd.s32 s4, s3  }
0x9: {  	[tilespmem:$0x50] =	vst v0;
	s4 =	smin.u32 s4, $0x29810  }
0xa: {  	[tilespmem:$0x60] =	vst v1;
	s9 =	ssub.s32 s4, s3  }
0xb: {  	s7 =	simm.s32 $0x2;
	s8 =	simm.s32 $0x8;
	[tilespmem:$0x70] =	vst v1;
	p0 =	sgt.s32 s9, $0x0  }
0xc: {  	s31 =	simm.s32 $0x9;
	s16 =	simm.s32 $0x0;
	[tilespmem:$0x80] =	vst v1;
	s9 =	simm.s32 @!p0 $0x0  }
0xd: {  	s17 =	simm.s32 $0xF0;
	s18 =	simm.s32 $0xFFFFFFFF;
	v1 =	vimm.s32 $0x0;
	[tilespmem:$0xB0] =	vst v0;
	s5 =	smulhi.u32 $0x134679AD, s9  }
0xe: {  	s19 =	simm.s32 $0xFFFFCBE0;
	s20 =	simm.s32 $0xFFFFFFFE;
	s21 =	simm.s32 $0xF;
	[tilespmem:$0x90] =	vst v1  }
0xf: {  	[tilespmem:$0xA0] =	vst v1;
	[sflag:s7] =	ssyncpa.u1 $0x0;
	s7 =	simm.s32 $0x7;
	s10 =	sshrl.u32 s5, $0x9  }
0x10: {  	s25 =	simm.s32 $0x0;
	[sflag:s7] =	ssyncpa.u1 $0x0;
	s11 =	smul.u32 $0x1A90, s10  }
0x11: {  	s24 =	simm.s32 $0x0;
	s14 =	sshllo.u32 s6, $0x1;
	[sflag:s8] =	ssyncpa.u1 $0x0  }
.Ltmp0:
0x12: {  	s23 =	smov.u32 s3;
	p0 =	sne.s32 s9, s11;
	(pc) =	sbr.rel .LBB2_1-.Ltmp0, $4  }
0x13: {  	s5 =	sadd.s32 $0x5600, s0;
	s0 =	sadd.s32 $0xB6000, s0;
	s2 =	simm.s32 @!p0 $0x0  }
0x14: {  	[sflag:s31] =	ssyncpa.u1 $0x0;
	[dreg:$0x3] =	wrdreg s0;
	s9 =	sadd.s32 s2, s10  }
0x15: {  	vm0 =	vmmov $0xffff;
	v2 =	vlaneseq.u32;
	p0 =	por $0x0, $0x0;
	s10 =	sshll.u32 s6, $0x1;
	s11 =	sadd.s32 $0x1, s9  }
0x16: {  	vm1 =	vmxor vm1, vm1;
	vm2 =	vmmov $0x1;
	vm3 =	vcmask $0x3F3C;
	s12 =	sadd.s32 $0x2, s9;
	s13 =	sor.u32 $0x81, s10;
	s15 =	sor.u32 $0x80, s10  }
.LBB2_9:
0x17: {  	p1 =	slt.u32 s24, $0x3  }
0x18: {  	s0 =	simm.s32 @!p1 $0x2  }
0x19: {  	_ =	swait.ge @!p1 [sflag:s0], $0x1A90  }
0x1a: {  	[sflag:s0] =	ssyncset.done @!p1 $0x0  }
0x1b: {  	[sflag:s0] =	ssyncadd.s32 @!p1 $0xFFFFE570;
	s0 =	simm.s32 @!p1 $0x9  }
0x1c: {  	_ =	swait.ge @!p1 [sflag:s0], $0x10  }
0x1d: {  	[sflag:s0] =	ssyncset.done @!p1 $0x0  }
0x1e: {  	[sflag:s0] =	ssyncadd.s32 @!p1 $0xFFFFFFF0;
	p1 =	sne.s32 s24, s12  }
.Ltmp1:
0x1f: {  	s2 =	sadd.s32 $0x1A90, s23;
	(pc) =	sbr.rel @!p1 .LBB2_10-.Ltmp1, $4  }
0x20: {  	s6 =	smov.u32 s3;
	s31 =	sadd.s32 $0x1, s24;
	s17 =	sadd.s32 $0x1A90, s17  }
0x21: {  	s18 =	sadd.s32 $0x1, s18;
	s25 =	smov.u32 s23;
	p2 =	slt.s32 s2, s4  }
0x22: {  	p0 =	por !p0, !p0;
	s19 =	sadd.s32 $0x1A90, s19;
	s6 =	smov.u32 @p2 s2  }
0x23: {  	s20 =	sadd.s32 $0x1, s20;
	s23 =	smov.u32 s6;
	s24 =	smov.u32 s31  }
.LBB2_1:
0x24: {  	p1 =	sge.u32 s24, s9  }
0x25: {  	s0 =	smulhi.u32 @!p1 $0xAAAAAAAB, s24;
	_ =	sdelay $0x1  }
0x26: {  	s0 =	sshrl.u32 @!p1 s0, $0x1  }
0x27: {  	s0 =	smul.u32 @!p1 $0x3, s0;
	_ =	sdelay $0x1  }
0x28: {  	s0 =	ssub.s32 @!p1 s24, s0  }
0x29: {  	s0 =	smul.u32 @!p1 $0x6A40, s0;
	_ =	sdelay $0x1  }
0x2a: {  	s2 =	sshrl.u32 @!p1 s23, $0x3;
	s0 =	sshrl.u32 @!p1 s0, $0x2  }
0x2b: {  	s22 =	sand.u32 @!p1 $0x7, s23;
	s2 =	sadd.s32 @!p1 s5, s2;
	s0 =	sadd.s32 @!p1 $0x100, s0  }
0x2c: {  	[tilespmem:s0], [sflag:$0x7] =	stream.linear.gather @!p1 [hbm4b:s2+s22], $0x1A90, $0x38;
	[tilespmem:$0xF030] =	vst v63  }
0x2d: {  	s0 =	sadd.s32 $0xFFFFFFFF, s24  }
0x2e: {  	p1 =	sge.u32 s0, s9  }
.Ltmp2:
0x2f: {  	_ = 	snop;
	(pc) =	sbr.rel @p1 .LBB2_5-.Ltmp2, $1  }
0x30: {  	_ =	sdelay $0x3  }
0x31: {  	s2 =	smulhi.u32 $0xAAAAAAAB, s0;
	_ =	sdelay $0x1  }
0x32: {  	s2 =	sshrl.u32 s2, $0x1  }
0x33: {  	s2 =	smul.u32 $0x3, s2;
	_ =	sdelay $0x1  }
0x34: {  	s2 =	ssub.s32 s0, s2  }
0x35: {  	s2 =	smul.u32 $0x6A40, s2  }
0x36: {  	_ =	swait.ge [sflag:s7], $0x1A90  }
0x37: {  	[sflag:s7] =	ssyncset.done $0x0;
	s2 =	sshrl.u32 s2, $0x2  }
0x38: {  	[sflag:s7] =	ssyncadd.s32 $0xFFFFE570;
	(ifvalue) =	ssetifvalue $0xFFFFFFFF;
	v3 =	vld.msk [tilespmem:s2+$0x100 ss:$0x1], $0xffff;
	_ =	sdelay $0x2  }
0x39: {  	s30 =	smulhi.u32 $0xAAAAAAAB, s18;
	p1 =	sne.s32 s24, $0x1  }
0x3a: {  	v4 =	vimm.s32 @!p1 $0x0  }
0x3b: {  	s2 =	sshrl.u32 s30, $0x1;
	v4 =	vperm.xlane @!p1 v3, v4  }
0x3c: {  	s22 =	sshll.u32 s24, $0x4;
	s2 =	smul.u32 $0xFFFEC140, s2;
	vm4 =	vlt.u32 v3, $0x2800  }
0x3d: {  	s22 =	sand.u32 $0x10, s22;
	v3 =	vnsel vm4, $0xFFFFFFFE, v3;
	vm4 =	vlt.u32 @!p1 v4, $0x2800  }
0x3e: {  	s2 =	sshra.s32 s2, $0x2;
	[tilespmem:s22+$0x60] =	vst v3;
	v3 =	vnsel @!p1 vm4, $0xFFFFFFFE, v4  }
0x3f: {  	s28 =	sadd.s32 s2, s17;
	[tilespmem:$0x80] =	vst @!p1 v3  }
0x40: {  	v3 =	vld.msk [tilespmem:s28+$0x0 ss:$0x1], $0xffff;
	_ =	sdelay $0x4  }
0x41: {  	(xrf1) =	vunique.msk.u32 $0xffff, v3;
	_ =	sdelay $0xd  }
0x42: {  	v4 =	vimm.s32 $0xFFFFFFFF;
	v5, _, _ =	vpop (xrf1)  }
0x43: {  	vm5 =	vne.s32 v3, v4;
	vm4 =	veq.s32 v5, v2  }
0x44: {  	vm6 =	vlt.u32 v3, $0x2800;
	vm4 =	vmand vm5, vm4  }
0x45: {  	vm4 =	vmand vm6, vm4  }
0x46: {  	v4 =	vnsel vm4, $0xFFFFFFFF, v3  }
0x47: {  	s31 =	sand.u32 $0x1, s0  }
0x48: {  	s0 =	simm.s32 $0x1A90;
	p1 =	seq.s32 s31, $0x1  }
0x49: {  	s0 =	simm.s32 @!p1 $0x0  }
0x4a: {  	s26 =	sadd.s32 $0x6B30, s0;
	(ifvalue) =	ssetifvalue $0xFFFFFFFF  }
0x4b: {  	v3 =	vperm.xlane v3, v1;
	[tilespmem:s26], [sflag:$0x8] =	stream.indirect_vreg.gather [hbm4b:s1+s16], $0x1, v4, vm0, $0x4038;
	v4 =	vnsel vm6, $0xFFFFFFFE, v4;
	[tilespmem:$0xF030] =	vst v63  }
0x4c: {  	s2 =	simm.s32 $0x0;
	s22 =	sadd.s32 $0xFFFFFFF0, s28;
	[tilespmem:s28+$0x0] =	vst v4  }
.LBB2_3:
0x4d: {  	v4 =	vld.msk [tilespmem:s22+$0x0 ss:$0x1], $0xffff;
	s2 =	sadd.s32 $0x10, s2;
	v5 =	vmov v3;
	s28 =	smov.u32 s22  }
0x4e: {  	p1 =	slt.u32 s2, $0x1A80;
	_ =	sdelay $0x4  }
0x4f: {  	v3 =	vperm.xlane v4, v1;
	(xrf1) =	vunique.msk.u32 $0xffff, v4;
	_ =	sdelay $0xd  }
0x50: {  	v6, _, _ =	vpop (xrf1)  }
0x51: {  	vm5 =	vne.s32 v4, v5;
	vm4 =	veq.s32 v6, v2  }
0x52: {  	vm6 =	vlt.u32 v4, $0x2800;
	vm4 =	vmand vm5, vm4  }
0x53: {  	vm4 =	vmand vm6, vm4  }
0x54: {  	v4 =	vnsel vm4, $0xFFFFFFFF, v4  }
.Ltmp3:
0x55: {  	v5 =	vnsel vm6, $0xFFFFFFFE, v4;
	(pc) =	sbr.rel @p1 .LBB2_3-.Ltmp3, $3  }
0x56: {  	_ =	sdelay $0x1  }
0x57: {  	s22 =	sadd.s32 $0xFFFFFFF0, s22;
	s26 =	sadd.s32 $0xFFFFFFF0, s26;
	(ifvalue) =	ssetifvalue $0xFFFFFFFF  }
0x58: {  	[tilespmem:s26], [sflag:$0x8] =	stream.indirect_vreg.gather [hbm4b:s1+s16], $0x1, v4, vm0, $0x4038;
	[tilespmem:s28+$0x0] =	vst v5  }
0x59: {  	s2 =	sshrl.u32 s25, $0x3;
	s6 =	rddreg [dreg:$0x3]  }
0x5a: {  	s0 =	sadd.s32 $0x85D0, s0;
	s2 =	sadd.s32 s6, s2  }
0x5b: {  	[tilespmem:s0], [sflag:$0x8] =	stream.linear.gather [hbm:s2], $0x1A90, $0x38;
	[tilespmem:$0xF030] =	vst v63  }
.LBB2_5:
0x5c: {  	p1 =	slt.u32 s24, $0x2  }
0x5d: {  	p2 =	sge.u32 @!p1 s24, s12  }
0x5e: {  	p1 =	por p1, p2  }
.Ltmp4:
0x5f: {  	_ = 	snop;
	(pc) =	sbr.rel @p1 .LBB2_9-.Ltmp4, $1  }
0x60: {  	_ =	sdelay $0x3  }
0x61: {  	s0 =	sadd.s32 $0xFFFFFFFE, s24  }
0x62: {  	s2 =	smulhi.u32 $0xAAAAAAAB, s0;
	_ =	sdelay $0x1  }
0x63: {  	s2 =	sshrl.u32 s2, $0x1  }
0x64: {  	s2 =	smul.u32 $0x3, s2;
	_ =	sdelay $0x1  }
0x65: {  	s0 =	ssub.s32 s0, s2  }
0x66: {  	_ =	swait.ge [sflag:s8], $0x3520;
	s0 =	smul.u32 $0x1A90, s0  }
0x67: {  	p1 =	sne.s32 s24, s11;
	[sflag:s8] =	ssyncset.done $0x0  }
0x68: {  	[sflag:s8] =	ssyncadd.s32 $0xFFFFCAE0;
	s2 =	sadd.s32 @!p1 $0x1B8F, s0  }
0x69: {  	[spmem:s13] =	stream.linear.scatter @!p1 [tilespmem:s2], [sflag:$0x1], $0x1, $0x38;
	[tilespmem:$0xF030] =	vst v63  }
0x6a: {  	s2 =	simm.s32 @!p1 $0x1  }
0x6b: {  	_ =	swait.ge @!p1 [sflag:s2], $0x1  }
0x6c: {  	s22 =	sshll.u32 s24, $0x4;
	[sflag:s2] =	ssyncset.done @!p1 $0x0  }
0x6d: {  	s25 =	sand.u32 $0x10, s22;
	[sflag:s2] =	ssyncadd.s32 @!p1 $0xFFFFFFFF  }
0x6e: {  	s2 =	sxor.u32 $0x10, s25;
	v4 =	vld [tilespmem:s25+$0x10]  }
0x6f: {  	v5 =	vld [tilespmem:s2+$0x60]  }
0x70: {  	v3 =	vld [tilespmem:$0x80];
	_ =	sdelay $0x2  }
0x71: {  	(v2sf) =	vpush v4, $0x0  }
0x72: {  	(v2sf) =	vpush v5, $0x0  }
0x73: {  	(v2sf) =	vpush v3, $0x0;
	_ =	sdelay $0xc  }
0x74: {  	s6 =	spop (v2sf)  }
0x75: {  	s28 =	spop (v2sf)  }
0x76: {  	s26 =	spop (v2sf)  }
0x77: {  	p2 =	seq.s32 s6, s28;
	p3 =	seq.s32 s26, s6  }
0x78: {  	p3 =	por p2, p3  }
0x79: {  	s6 =	sand.u32 $0x1, s24;
	v4 =	vpsel p3, $0xFFFFFFFF, v4  }
0x7a: {  	s28 =	smul.u32 $0x1A90, s6;
	[tilespmem:s25+$0x10] =	vst.msk $0x1, v4  }
0x7b: {  	v4 =	vld [tilespmem:$0x30]  }
0x7c: {  	v5 =	vld [tilespmem:s28+$0x85D0]  }
0x7d: {  	v6 =	vld [tilespmem:s25+$0x40];
	_ =	sdelay $0x3  }
0x7e: {  	vm4 =	vmmov vm1;
	v5 =	vadd.f32 v5, v4  }
0x7f: {  	vm5 =	vmmov vm2;
	vm4 =	vmmov @p2 vm2;
	v4 =	vadd.f32 v6, v4  }
0x80: {  	s22 =	sshll.u32 s6, $0x4;
	vm5 =	vmmov @p3 vm1;
	[tilespmem:s28+$0x85D0] =	vst.msk vm4, v5  }
0x81: {  	[tilespmem:s22+$0xF010] =	vst.msk vm5, v4  }
0x82: {  	v4 =	vld [tilespmem:s28+$0x6B30];
	_ =	sdelay $0x3  }
0x83: {  	v5 =	vimm.f32 $0.0e+00  }
0x84: {  	v4 =	vshift.insert v4, v5, s21  }
0x85: {  	s29 =	sor.u32 $0x40, s2  }
0x86: {  	[tilespmem:s29+$0x0] =	vst.msk $0x1, v4  }
0x87: {  	[tilespmem:s28+$0x6B3F] =	vst.msk $0x1, v5  }
0x88: {  	v4 =	vld [tilespmem:s0+$0x1B80];
	_ =	sdelay $0x1  }
0x89: {  	s29 =	smulhi.u32 $0xAAAAAAAB, s20;
	s0 =	simm.s32 $0x1  }
0x8a: {  	s0 =	simm.s32 @!p0 $0x0  }
0x8b: {  	s29 =	sshrl.u32 s29, $0x1;
	s0 =	smul.u32 $0x6A40, s0  }
0x8c: {  	s29 =	smul.u32 $0xFFFEC140, s29;
	v4 =	vshift.insert v4, v1, s21  }
0x8d: {  	s0 =	sshrl.u32 s0, $0x2  }
0x8e: {  	s29 =	sshra.s32 s29, $0x2;
	s30 =	sadd.s32 $0x85D0, s0;
	[tilespmem:s2+$0x10] =	vst.msk $0x1, v4  }
0x8f: {  	s6 =	sadd.s32 s29, s19;
	v6 =	vld [tilespmem:s30+$0x0]  }
0x90: {  	v7 =	vld [tilespmem:s6+$0x0];
	_ =	sdelay $0x3  }
0x91: {  	v5 =	vadd.f32 v6, v5  }
0x92: {  	vm4 =	vne.s32 v7, $0xFFFFFFFF  }
0x93: {  	(xrf2) =	vadd.seg.scan.f32 vm4, v5;
	_ =	sdelay $0x3  }
0x94: {  	s31 =	sadd.s32 $0x50B0, s0;
	v5 =	vperm.xlane v4, v1  }
0x95: {  	v6 =	vld [tilespmem:s31+$0x0]  }
0x96: {  	vm5 =	veq.s32 v7, v3;
	vm6 =	veq.s32 v7, v5  }
0x97: {  	vm7 =	vgt.u32 v7, $0xFFFFFFFD;
	vm6 =	vmor vm6, vm5  }
0x98: {  	vm6 =	vmor vm6, vm7  }
0x99: {  	v9 =	vld [tilespmem:$0xA0];
	v7 =	vsel vm6, $0xFFFFFFFF, v7  }
0x9a: {  	v10 =	vld [tilespmem:$0x90];
	v6 =	vsel vm5, $0x0, v6;
	v8, _, _ =	vpop (xrf2)  }
0x9b: {  	v6 =	vadd.f32 v8, v6  }
0x9c: {  	s0 =	sadd.s32 $0xBAF0, s0  }
0x9d: {  	vm4 =	vmand vm4, vm3;
	[tilespmem:s0+$0x0] =	vst v6;
	(ifvalue) =	ssetifvalue $0xFFFFFFFF  }
0x9e: {  	vm6 =	veq.s32 v9, $0x1;
	[hbm4b:s1+s16] =	stream.indirect_vreg.scatter [tilespmem:s0], [sflag:$0x2], $0x1, v7, vm0, $0x4038;
	v7 =	vsel vm4, $0x0, v8;
	[tilespmem:$0xF030] =	vst v63  }
0x9f: {  	s29 =	sadd.s32 $0xF010, s22;
	s22 =	sadd.s32 $0x10, s6;
	s2 =	simm.s32 $0x0;
	vm4 =	vmor vm6, vm5;
	v6 =	vsel vm5, v8, v10;
	v7 =	vshift.insert v7, v0, s21  }
.LBB2_7:
0xa0: {  	v8 =	vld [tilespmem:s22+$0x0];
	s30 =	sadd.s32 $0x10, s30  }
0xa1: {  	s31 =	sadd.s32 $0x10, s31;
	v9 =	vld [tilespmem:s30+$0x0]  }
0xa2: {  	s2 =	sadd.s32 $0x10, s2;
	v10 =	vld [tilespmem:s31+$0x0]  }
0xa3: {  	p2 =	slt.u32 s2, $0x1A80;
	_ =	sdelay $0x2  }
0xa4: {  	v7 =	vadd.f32 v9, v7  }
0xa5: {  	vm5 =	vne.s32 v8, $0xFFFFFFFF  }
0xa6: {  	vm6 =	vmand vm5, vm3;
	(xrf2) =	vadd.seg.scan.f32 vm5, v7;
	_ =	sdelay $0x5  }
0xa7: {  	vm7 =	veq.s32 v8, v5;
	vm5 =	veq.s32 v8, v3  }
0xa8: {  	vm8 =	vgt.u32 v8, $0xFFFFFFFD;
	vm4 =	vmor vm4, vm5;
	vm7 =	vmor vm7, vm5  }
0xa9: {  	vm7 =	vmor vm7, vm8  }
0xaa: {  	v8 =	vsel vm7, $0xFFFFFFFF, v8  }
.Ltmp5:
0xab: {  	v7 =	vsel vm5, $0x0, v10;
	v9, _, _ =	vpop (xrf2);
	(pc) =	sbr.rel @p2 .LBB2_7-.Ltmp5, $4  }
0xac: {  	v6 =	vsel vm5, v9, v6;
	v10 =	vadd.f32 v9, v7;
	v7 =	vsel vm6, $0x0, v9  }
0xad: {  	s0 =	sadd.s32 $0x10, s0;
	v7 =	vshift.insert v7, v0, s21  }
0xae: {  	s22 =	sadd.s32 $0x10, s22;
	[tilespmem:s0+$0x0] =	vst v10;
	(ifvalue) =	ssetifvalue $0xFFFFFFFF  }
0xaf: {  	[hbm4b:s1+s16] =	stream.indirect_vreg.scatter [tilespmem:s0], [sflag:$0x2], $0x1, v8, vm0, $0x4038;
	[tilespmem:$0xF030] =	vst v63  }
0xb0: {  	v3 =	vld [tilespmem:s28+$0xD570];
	_ =	sdelay $0x4  }
0xb1: {  	v3 =	vshift.insert v3, v0, s21  }
0xb2: {  	s0 =	simm.s32 $0x30  }
0xb3: {  	[tilespmem:s0+$0x0] =	vst.msk $0x1, v3  }
0xb4: {  	v3 =	vsel vm4, $0x1, v1;
	[tilespmem:$0x90] =	vst v6  }
0xb5: {  	s0 =	sadd.s32 @!p1 $0xD57F, s28;
	[tilespmem:$0xA0] =	vst v3  }
0xb6: {  	[spmem:s14] =	stream.linear.scatter @!p1 [tilespmem:s0], [sflag:$0x1], $0x1, $0x38;
	[tilespmem:$0xF030] =	vst v63  }
0xb7: {  	s0 =	simm.s32 @!p1 $0x1  }
0xb8: {  	v3 =	vmctz.xlane @!p1 vm4;
	_ =	swait.ge @!p1 [sflag:s0], $0x1  }
0xb9: {  	(v2sf) =	vpush @!p1 v4, $0x0  }
0xba: {  	(v2sf) =	vpush @!p1 v3, $0x0;
	_ =	sdelay $0xd  }
0xbb: {  	s2 =	spop @!p1 (v2sf)  }
0xbc: {  	s6 =	spop @!p1 (v2sf)  }
0xbd: {  	p2 =	sne.s32 @!p1 s26, s2;
	p3 =	slt.s32 @!p1 s6, $0xF  }
0xbe: {  	[sflag:s0] =	ssyncset.done @!p1 $0x0;
	p2 =	por p2, p1;
	p3 =	por !p3, p1  }
0xbf: {  	[sflag:s0] =	ssyncadd.s32 @!p1 $0xFFFFFFFF;
	v3 =	vimm.s32 @!p2 $0xFFFFFFFF;
	s6 =	simm.s32 @p3 $0xF  }
0xc0: {  	[tilespmem:$0x80] =	vst @!p2 v3;
	s2 =	sadd.s32 @!p1 $0x90, s6  }
0xc1: {  	[spmem:s10] =	stream.linear.scatter @!p1 [tilespmem:s2], [sflag:$0x1], $0x1, $0x38;
	[tilespmem:$0xF030] =	vst v63  }
0xc2: {  	_ =	swait.ge @!p1 [sflag:s0], $0x1  }
0xc3: {  	[sflag:s0] =	ssyncset.done @!p1 $0x0  }
0xc4: {  	s2 =	simm.s32 @!p1 $0x80;
	[sflag:s0] =	ssyncadd.s32 @!p1 $0xFFFFFFFF  }
0xc5: {  	[spmem:s15] =	stream.linear.scatter @!p1 [tilespmem:s2], [sflag:$0x1], $0x1, $0x38;
	[tilespmem:$0xF030] =	vst v63  }
0xc6: {  	_ =	swait.ge @!p1 [sflag:s0], $0x1  }
0xc7: {  	[sflag:s0] =	ssyncset.done @!p1 $0x0  }
0xc8: {  	[sflag:s0] =	ssyncadd.s32 @!p1 $0xFFFFFFFF;
	(ifvalue) =	ssetifvalue $0xFFFFFFFF;
	v3 =	vld [tilespmem:s25+$0x10];
	_ =	sdelay $0x3  }
.Ltmp6:
0xc9: {  	_ = 	snop;
	(pc) =	sbr.rel .LBB2_9-.Ltmp6, $3  }
0xca: {  	_ =	sdelay $0x1  }
0xcb: {  	(ifvalue) =	ssetifvalue $0xFFFFFFFF  }
0xcc: {  	[hbm4b:s1+s16] =	stream.indirect_vreg.scatter [tilespmem:s29], [sflag:$0x9], $0x1, v3, vm0, $0x4038;
	[tilespmem:$0xF030] =	vst v63  }
.LBB2_10:
0xcd: {  	_ =	sfence.sel $0x180000  }
0xce: {  	s0 =	simm.s32 $0x7;
	[bflag:$0x0] =	sbarrier.arrive $0xFFFF  }
0xcf: {  	s26 =	simm.s32 $0x8;
	[sflag:s0] =	ssyncpa.u1 $0x1  }
0xd0: {  	s28 =	simm.s32 $0x9;
	[sflag:s26] =	ssyncpa.u1 $0x1  }
0xd1: {  	[sflag:s28] =	ssyncpa.u1 $0x1  }
0xd2: {  	_ =	sfence.stream.spmem  }
0xd3: {  	s29 =	simm.s32 $0x3;
	[bflag:$0x0] =	sbarrier.arrive $0xFFFF  }
0xd4: {  	s30 =	simm.s32 $0x4;
	[sflag:s29] =	ssyncpa.u1 $0x1  }
0xd5: {  	s31 =	simm.s32 $0x3C;
	s2 =	stileid.u32;
	[sflag:s30] =	ssyncpa.u1 $0x1  }
0xd6: {  	p0 =	sne.s32 s2, $0x0;
	[sflag:s31] =	ssyncpa.u1 $0x1  }
0xd7: {  	s0 =	simm.s32 @p0 $0x1;
	_ =	sfence @p0  }
0xd8: {  	[sflag:s0] =	ssyncpa.u1 @p0 $0x1;
	s0 =	simm.s32 @p0 $0x2  }
0xd9: {  	[sflag:s0] =	ssyncpa.u1 @p0 $0x1  }
0xda: {  	_ =	strace @p0 $0x90000047  }
0xdb: {  	[bflag:$0x2] =	sbarrier.arrive @p0 $0xFFFF  }
0xdc: {  	_ =	shalt @p0  }
.LBB2_11:
0xdd: {  	_ =	sfence.stream.spmem;
	s0 =	simm.s32 $0x5  }
0xde: {  	s2 =	simm.s32 $0x80;
	s3 =	simm.s32 $0xC0;
	[sflag:s0] =	ssyncpa.u1 $0x0  }
0xdf: {  	[tilespmem:s3], [sflag:$0x5] =	stream.linear.gather [spmem:s2], $0x20, $0x38;
	[tilespmem:$0xF030] =	vst v63  }
0xe0: {  	s2 =	simm.s32 $0x0;
	s3 =	simm.s32 $0xE0  }
0xe1: {  	[tilespmem:s3], [sflag:$0x5] =	stream.linear.gather [spmem:s2], $0x20, $0x38;
	[tilespmem:$0xF030] =	vst v63  }
.Ltmp7:
0xe2: {  	_ = 	snop;
	(pc) =	sbr.rel .LBB2_12-.Ltmp7, $4  }
0xe3: {  	_ =	swait.ge [sflag:s0], $0x40  }
0xe4: {  	[sflag:s0] =	ssyncset.done $0x0  }
0xe5: {  	s31 =	simm.s32 $0x6;
	[sflag:s0] =	ssyncadd.s32 $0xFFFFFFC0  }
0xe6: {  	s4 =	simm.s32 $0x0;
	[sflag:s31] =	ssyncpa.u1 $0x0  }
.LBB2_17:
0xe7: {  	p0 =	sgt.u32 s5, $0x27FF  }
0xe8: {  	s0 =	sshrl.u32 @!p0 s5, $0x3  }
0xe9: {  	s5 =	sand.u32 @!p0 $0x7, s5;
	s6 =	simm.s32 @!p0 $0xB0;
	s0 =	sadd.s32 @!p0 s1, s0  }
0xea: {  	[tilespmem:s6], [sflag:$0x6] =	stream.linear.gather @!p0 [hbm4b:s0+s5], $0x1, $0x38;
	[tilespmem:$0xF030] =	vst v63  }
0xeb: {  	s0 =	simm.s32 @!p0 $0x6  }
0xec: {  	_ =	swait.ge @!p0 [sflag:s0], $0x1  }
0xed: {  	[sflag:s0] =	ssyncset.done @!p0 $0x0  }
0xee: {  	[sflag:s0] =	ssyncadd.s32 @!p0 $0xFFFFFFFF  }
0xef: {  	v2 =	vmov @!p0 s4;
	v1 =	vld.msk @!p0 [tilespmem:$0xB0], $0x1;
	_ =	sdelay $0x3  }
0xf0: {  	s0 =	simm.s32 @!p0 $0xE0  }
0xf1: {  	[tilespmem:v2+s0+$0x0], v1 =	vst.idx.ret.add.f32.msk @!p0 $0x1, v1  }
0xf2: {  	[tilespmem:s2+$0xC0] =	vst.msk $0x1, v0  }
0xf3: {  	v0 =	vld.msk [tilespmem:s4+$0xE0], $0x1;
	_ =	sdelay $0x4  }
0xf4: {  	[tilespmem:s2+$0xE0] =	vst.msk $0x1, v0;
	s2 =	sadd.s32 $0x1, s2  }
.LBB2_19:
0xf5: {  	s4 =	sadd.s32 $0x1, s4  }
0xf6: {  	p0 =	sne.s32 s4, $0x20  }
.Ltmp8:
0xf7: {  	_ = 	snop;
	(pc) =	sbr.rel @!p0 .LBB2_20-.Ltmp8, $1  }
0xf8: {  	_ =	sdelay $0x3  }
.LBB2_12:
0xf9: {  	v0 =	vld.msk [tilespmem:s4+$0xC0], $0x1;
	_ =	sdelay $0x4  }
0xfa: {  	(v2sf) =	vpush v0, $0x0;
	_ =	sdelay $0xe  }
0xfb: {  	s5 =	spop (v2sf)  }
0xfc: {  	p0 =	seq.s32 s5, $0xFFFFFFFF  }
.Ltmp9:
0xfd: {  	_ = 	snop;
	(pc) =	sbr.rel @p0 .LBB2_19-.Ltmp9, $1  }
0xfe: {  	_ =	sdelay $0x3  }
0xff: {  	p0 =	slt.s32 s2, $0x1  }
.Ltmp10:
0x100: {  	_ = 	snop;
	(pc) =	sbr.rel @p0 .LBB2_17-.Ltmp10, $1  }
0x101: {  	_ =	sdelay $0x3  }
0x102: {  	s0 =	simm.s32 $0xC0;
	p0 =	por $0x0, $0x0  }
0x103: {  	v1 =	vld.msk @!p0 [tilespmem:s0+$0x0], $0x1;
	_ =	sdelay $0x4  }
0x104: {  	(v2sf) =	vpush @!p0 v1, $0x0;
	_ =	sdelay $0xd  }
0x105: {  	p2 =	sne.s32 s2, $0x1  }
.Ltmp11:
0x106: {  	s6 =	spop @!p0 (v2sf);
	(pc) =	sbr.rel @!p2 .LBB2_16-.Ltmp11, $4  }
0x107: {  	p1 =	seq.s32 @!p0 s5, s6  }
0x108: {  	s6 =	simm.s32 $0x0;
	p1 =	por !p1, p0  }
0x109: {  	s8 =	simm.s32 $0xFFFFFFFF;
	s6 =	simm.s32 @p1 $0xFFFFFFFF  }
0x10a: {  	s7 =	simm.s32 $0x1;
	s6 =	smov.u32 @p0 s8  }
.LBB2_15:
0x10b: {  	s8 =	smov.u32 s6;
	p0 =	sne.s32 s6, $0xFFFFFFFF  }
0x10c: {  	s0 =	sadd.s32 $0x1, s0;
	s6 =	smov.u32 s7;
	s7 =	sadd.s32 $0x1, s7  }
0x10d: {  	p1 =	sne.s32 s2, s7;
	v1 =	vld.msk @!p0 [tilespmem:s0+$0x0], $0x1;
	_ =	sdelay $0x4  }
0x10e: {  	(v2sf) =	vpush @!p0 v1, $0x0;
	_ =	sdelay $0xe  }
.Ltmp12:
0x10f: {  	s9 =	spop @!p0 (v2sf);
	(pc) =	sbr.rel @p1 .LBB2_15-.Ltmp12, $4  }
0x110: {  	p2 =	seq.s32 @!p0 s5, s9  }
0x111: {  	p2 =	por !p2, p0  }
0x112: {  	s6 =	simm.s32 @p2 $0xFFFFFFFF  }
0x113: {  	s6 =	smov.u32 @p0 s8  }
.LBB2_16:
0x114: {  	p0 =	sne.s32 s6, $0xFFFFFFFF  }
.Ltmp13:
0x115: {  	_ = 	snop;
	(pc) =	sbr.rel @!p0 .LBB2_17-.Ltmp13, $1  }
0x116: {  	_ =	sdelay $0x3  }
0x117: {  	v0 =	vld.msk [tilespmem:s4+$0xE0], $0x1;
	v1 =	vmov s6  }
.Ltmp14:
0x118: {  	_ = 	snop;
	(pc) =	sbr.rel .LBB2_19-.Ltmp14, $2  }
0x119: {  	_ =	sdelay $0x2  }
0x11a: {  	[tilespmem:v1+s3+$0x0], v0 =	vst.idx.ret.add.f32.msk $0x1, v0  }
.LBB2_20:
0x11b: {  	p0 =	slt.s32 s2, $0x1  }
.Ltmp15:
0x11c: {  	_ = 	snop;
	(pc) =	sbr.rel @p0 .LBB2_24-.Ltmp15, $3  }
0x11d: {  	_ =	sdelay $0x1  }
0x11e: {  	s0 =	simm.s32 $0x6  }
0x11f: {  	s3 =	simm.s32 $0x0;
	[sflag:s0] =	ssyncpa.u1 $0x1  }
0x120: {  	s0 =	simm.s32 $0xC0  }
0x121: {  	v0 =	vld.msk [tilespmem:s0+$0x0], $0x1;
	_ =	sdelay $0x4  }
0x122: {  	(v2sf) =	vpush v0, $0x0;
	_ =	sdelay $0xe  }
0x123: {  	s2 =	sadd.s32 $0xFFFFFFFF, s2;
	s4 =	spop (v2sf)  }
0x124: {  	p1 =	sne.s32 s2, $0x0;
	p0 =	sgt.u32 s4, $0x27FF  }
.Ltmp16:
0x125: {  	s5 =	sshrl.u32 @!p0 s4, $0x3;
	(pc) =	sbr.rel @!p1 .LBB2_23-.Ltmp16, $4  }
0x126: {  	s0 =	simm.s32 $0xE0;
	s4 =	sand.u32 @!p0 $0x7, s4;
	s5 =	sadd.s32 @!p0 s1, s5  }
0x127: {  	[hbm4b:s5+s4] =	stream.linear.scatter @!p0 [tilespmem:s0], [sflag:$0x5], $0x1, $0x38;
	[tilespmem:$0xF030] =	vst v63  }
0x128: {  	s5 =	simm.s32 $0x0  }
0x129: {  	s4 =	simm.s32 $0xC1;
	s5 =	simm.s32 @!p0 $0x4  }
.LBB2_22:
0x12a: {  	v0 =	vld.msk [tilespmem:s4+$0x0], $0x1;
	s2 =	sadd.s32 $0xFFFFFFFF, s2;
	s3 =	sadd.s32 s3, s5  }
0x12b: {  	p0 =	sne.s32 s2, $0x0;
	_ =	sdelay $0x3  }
0x12c: {  	(v2sf) =	vpush v0, $0x0;
	_ =	sdelay $0xe  }
.Ltmp17:
0x12d: {  	s6 =	spop (v2sf);
	(pc) =	sbr.rel @p0 .LBB2_22-.Ltmp17, $4  }
0x12e: {  	s5 =	simm.s32 $0x0;
	p1 =	sgt.u32 s6, $0x27FF  }
0x12f: {  	s0 =	sadd.s32 $0x1, s0;
	s5 =	simm.s32 @!p1 $0x4;
	s7 =	sshrl.u32 @!p1 s6, $0x3  }
0x130: {  	s4 =	sadd.s32 $0x1, s4;
	s6 =	sand.u32 @!p1 $0x7, s6;
	s7 =	sadd.s32 @!p1 s1, s7  }
0x131: {  	[hbm4b:s7+s6] =	stream.linear.scatter @!p1 [tilespmem:s0], [sflag:$0x5], $0x1, $0x38;
	[tilespmem:$0xF030] =	vst v63  }
.LBB2_23:
0x132: {  	s0 =	sadd.s32 s3, s5  }
0x133: {  	s3 =	sshrl.u32 s0, $0x2  }
.LBB2_24:
0x134: {  	s0 =	simm.s32 $0x5  }
0x135: {  	_ =	swait.ge [sflag:s0], s3  }
0x136: {  	s1 =	ssub.s32 $0x0, s3;
	[sflag:s0] =	ssyncset.done $0x0  }
0x137: {  	[sflag:s0] =	ssyncadd.s32 s1  }
0x138: {  	[sflag:s0] =	ssyncpa.u1 $0x1  }
0x139: {  	s29 =	simm.s32 $0x1;
	_ =	sfence  }
0x13a: {  	s30 =	simm.s32 $0x2;
	[sflag:s29] =	ssyncpa.u1 $0x1  }
0x13b: {  	[sflag:s30] =	ssyncpa.u1 $0x1  }
0x13c: {  	_ =	strace $0x90000047  }
0x13d: {  	[bflag:$0x2] =	sbarrier.arrive $0xFFFF  }
0x13e: {  	s31 =	rddreg [dreg:$0x2]  }
0x13f: {  	s0 =	sadd.s32 $0x100000, s31  }
0x140: {  	[sflag:s0] =	ssyncadd.tile.s32 $0x1;
	_ =	shalt  }
.Lfunc_end2:
_tile_overlayer_lowered:
.L_overlay_start_2:
0x141: {  	(tag) =	ssettag $0x2  }
0x142: {  	s0 =	rddreg [dreg:$0x0];
	s2 =	stileid.u32  }
0x143: {  	s1 =	rddreg [dreg:$0x1];
	p0 =	sne.s32 s2, $0x0  }
0x144: {  	s3 =	rddreg [dreg:$0x2];
	[bflag:$0x3] =	sbarrier.arrive $0xFFFF;
	s2 =	simm.s32 @!p0 $0x1C01  }
0x145: {  	[timem:s3], [sflag:s2] =	dma.local @!p0 [hbm:s0], s1  }
0x146: {  	s0 =	simm.s32 @!p0 $0x1  }
0x147: {  	_ =	swait.ge @!p0 [sflag:s0], s1  }
0x148: {  	s1 =	ssub.s32 @!p0 $0x0, s1;
	[sflag:s0] =	ssyncset.done @!p0 $0x0  }
0x149: {  	[sflag:s0] =	ssyncadd.s32 @!p0 s1  }
0x14a: {  	[bflag:$0x3] =	sbarrier.arrive $0xFFFF  }
0x14b: {  	_ =	shalt  }

</sc_bundles>
